<compile_context>
chip_gen: v7x
topology: tpu7x:2x2x1
jax: 0.10.2.dev20260603
libtpu: 0.0.44.dev20260713+nightly
codegen_flags: <defaults>
</compile_context>

<pallas_src>
import functools

import jax
import jax.numpy as jnp
from jax import lax
from jax.experimental import pallas as pl
from jax.experimental.pallas import tpu as pltpu
from jax.experimental.pallas import tpu_sc as plsc

F32 = jnp.float32
BF16 = jnp.bfloat16

B = 8192
D_IN = 768
H1 = 2048
H2 = 1024
D = 256
K = 8192
RB = 1024
CB = 1024
EPS = 1e-5


def _ln_elu(a, g, b):
    mu = jnp.mean(a, axis=-1, keepdims=True)
    var = jnp.mean((a - mu) ** 2, axis=-1, keepdims=True)
    y = (a - mu) / jnp.sqrt(var + EPS) * g + b
    return jnp.where(y > 0, y, jnp.exp(y) - 1.0)


def _enc_body(x_ref, we1, be1, g1, bn1, we2, be2, g2, bn2, we3, be3,
              cbt, cbsq, e_ref, idx_ref):
    h = jnp.dot(x_ref[...].astype(BF16), we1[...],
                preferred_element_type=F32) + be1[...]
    h = _ln_elu(h, g1[...], bn1[...])
    h = jnp.dot(h.astype(BF16), we2[...],
                preferred_element_type=F32) + be2[...]
    h = _ln_elu(h, g2[...], bn2[...])
    e = jnp.dot(h.astype(BF16), we3[...],
                preferred_element_type=F32) + be3[...]
    e_ref[...] = e
    ebf2 = (e * -2.0).astype(BF16)
    esq = jnp.sum(e * e, axis=-1, keepdims=True)
    bv = jnp.full((RB, 128), jnp.inf, F32)
    bi = jnp.zeros((RB, 128), jnp.int32)
    for j in range(K // CB):
        d2 = jnp.dot(ebf2, cbt[:, j * CB:(j + 1) * CB],
                     preferred_element_type=F32)
        t = (esq + d2) + cbsq[:, j * CB:(j + 1) * CB]
        for k in range(CB // 128):
            step = j * (CB // 128) + k
            tk = lax.slice(t, (0, k * 128), (RB, (k + 1) * 128))
            pred = tk < bv
            bv = jnp.where(pred, tk, bv)
            bi = jnp.where(pred, jnp.int32(step), bi)
    lanes = lax.broadcasted_iota(jnp.int32, (RB, 128), 1)
    gidx = bi * 128 + lanes
    m = jnp.min(bv, axis=-1, keepdims=True)
    cand = jnp.where(bv == m, gidx, jnp.int32(2**31 - 1))
    idx_ref[...] = jnp.min(cand, axis=-1, keepdims=True)


def _dec_body(e_ref, q_ref, wd1, bd1, gd1, bdn1, wd2, bd2, gd2, bdn2,
              wd3, bd3, xhat_ref, loss_ref):
    hb = RB // 2
    parts = []
    for s in range(2):
        sl = pl.ds(s * hb, hb)
        e = e_ref[sl, :]
        q = q_ref[sl, :]
        diff = e - q
        parts.append(jnp.sum(jnp.sum(diff * diff, axis=-1, keepdims=True),
                             axis=0, keepdims=True))
        q_st = e + (q - e)
        h = jnp.dot(q_st.astype(BF16), wd1[...],
                    preferred_element_type=F32) + bd1[...]
        h = _ln_elu(h, gd1[...], bdn1[...])
        h = jnp.dot(h.astype(BF16), wd2[...],
                    preferred_element_type=F32) + bd2[...]
        h = _ln_elu(h, gd2[...], bdn2[...])
        xhat_ref[sl, :] = (jnp.dot(h.astype(BF16), wd3[...],
                                   preferred_element_type=F32) + bd3[...])
    part = parts[0] + parts[1]

    @pl.when(pl.program_id(0) == 0)
    def _():
        loss_ref[...] = part

    @pl.when(pl.program_id(0) != 0)
    def _():
        loss_ref[...] += part


def _full(shape):
    return pl.BlockSpec(shape, lambda i: (0,) * len(shape))


def _encode(x_bf, we1t, be1, g1, bn1, we2t, be2, g2, bn2, we3t, be3,
            cbt, cbsq):
    nb = x_bf.shape[0]
    return pl.pallas_call(
        _enc_body,
        grid=(nb // RB,),
        in_specs=[
            pl.BlockSpec((RB, D_IN), lambda i: (i, 0)),
            _full((D_IN, H1)), _full((1, H1)), _full((1, H1)), _full((1, H1)),
            _full((H1, H2)), _full((1, H2)), _full((1, H2)), _full((1, H2)),
            _full((H2, D)), _full((1, D)),
            _full((D, K)), _full((1, K)),
        ],
        out_specs=[
            pl.BlockSpec((RB, D), lambda i: (i, 0)),
            pl.BlockSpec((RB, 1), lambda i: (i, 0)),
        ],
        out_shape=[
            jax.ShapeDtypeStruct((nb, D), F32),
            jax.ShapeDtypeStruct((nb, 1), jnp.int32),
        ],
    )(x_bf, we1t, be1, g1, bn1, we2t, be2, g2, bn2, we3t, be3, cbt, cbsq)


def _decode(e, q, wd1t, bd1, gd1, bdn1, wd2t, bd2, gd2, bdn2, wd3t, bd3):
    nb = e.shape[0]
    return pl.pallas_call(
        _dec_body,
        grid=(nb // RB,),
        in_specs=[
            pl.BlockSpec((RB, D), lambda i: (i, 0)),
            pl.BlockSpec((RB, D), lambda i: (i, 0)),
            _full((D, H2)), _full((1, H2)), _full((1, H2)), _full((1, H2)),
            _full((H2, H1)), _full((1, H1)), _full((1, H1)), _full((1, H1)),
            _full((H1, D_IN)), _full((1, D_IN)),
        ],
        out_specs=[
            pl.BlockSpec((RB, D_IN), lambda i: (i, 0)),
            pl.BlockSpec((1, 1), lambda i: (0, 0)),
        ],
        out_shape=[
            jax.ShapeDtypeStruct((nb, D_IN), F32),
            jax.ShapeDtypeStruct((1, 1), F32),
        ],
    )(e, q, wd1t, bd1, gd1, bdn1, wd2t, bd2, gd2, bdn2, wd3t, bd3)


def _gather(codebook, idx):
    nb = idx.shape[0]
    info = plsc.get_sparse_core_info()
    nc, ns = info.num_cores, info.num_subcores
    nw = nc * ns
    bpw = nb // nw
    mesh = plsc.VectorSubcoreMesh(core_axis_name="c", subcore_axis_name="s")

    @functools.partial(
        pl.kernel, mesh=mesh,
        out_type=jax.ShapeDtypeStruct((nb, D), F32),
        scratch_types=[
            pltpu.VMEM((bpw,), jnp.int32),
            pltpu.VMEM((bpw, D), F32),
            pltpu.SemaphoreType.DMA,
            pltpu.SemaphoreType.DMA,
        ],
    )
    def k(table_hbm, idx_hbm, out_hbm, idx_v, rows_v, gsem, ssem):
        wid = lax.axis_index("s") * nc + lax.axis_index("c")
        base = wid * bpw
        nch = 8
        ch = bpw // nch
        pltpu.sync_copy(idx_hbm.at[pl.ds(base, bpw)], idx_v)
        gets = [pltpu.async_copy(table_hbm.at[idx_v.at[pl.ds(c * ch, ch)]],
                                 rows_v.at[pl.ds(c * ch, ch)], gsem)
                for c in range(nch)]
        puts = []
        for c in range(nch):
            gets[c].wait()
            puts.append(pltpu.async_copy(
                rows_v.at[pl.ds(c * ch, ch)],
                out_hbm.at[pl.ds(base + c * ch, ch)], ssem))
        for p in puts:
            p.wait()

    return k(codebook, idx)


def kernel(x, We1, be1, g1, bn1, We2, be2, g2, bn2, We3, be3, codebook,
           Wd1, bd1, gd1, bdn1, Wd2, bd2, gd2, bdn2, Wd3, bd3):
    we1t = We1.T.astype(BF16)
    we2t = We2.T.astype(BF16)
    we3t = We3.T.astype(BF16)
    wd1t = Wd1.T.astype(BF16)
    wd2t = Wd2.T.astype(BF16)
    wd3t = Wd3.T.astype(BF16)
    cbt = codebook.T.astype(BF16)
    cbsq = jnp.sum(codebook ** 2, axis=1).reshape(1, K)
    r = lambda v: v.reshape(1, -1)

    e, idx2 = _encode(x, we1t, r(be1), r(g1), r(bn1), we2t, r(be2),
                      r(g2), r(bn2), we3t, r(be3), cbt, cbsq)
    idx = idx2.reshape(B)
    q = _gather(codebook, idx)
    xhat, loss11 = _decode(e, q, wd1t, r(bd1), r(gd1), r(bdn1), wd2t,
                           r(bd2), r(gd2), r(bdn2), wd3t, r(bd3))
    m = loss11.reshape(()) / (B * D)
    vq_loss = m + 0.25 * m
    return (xhat, vq_loss, idx)

# --- scband reference (transcript-rebuilt; emitter-appended) ---
"""Pipeline reference for scband-vqvae-83193516524132 (READ-ONLY COPY).

The authoritative reference and input builder live on the scoring server;
editing this copy changes nothing except your own understanding.
"""

import jax, jax.numpy as jnp
import numpy as np


def layer_norm(x, g, b, eps=1e-5):
    mu = jnp.mean(x, axis=-1, keepdims=True)
    var = jnp.var(x, axis=-1, keepdims=True)
    return (x - mu) / jnp.sqrt(var + eps) * g + b


def _lin_params(key, out_d, in_d):
    bound = 1.0 / np.sqrt(in_d)
    kw, kb = jax.random.split(key)
    W = jax.random.uniform(kw, (out_d, in_d), minval=-bound, maxval=bound, dtype=jnp.float32)
    b = jax.random.uniform(kb, (out_d,), minval=-bound, maxval=bound, dtype=jnp.float32)
    return W, b


def setup_inputs(seed: int = 0) -> dict:
    key = jax.random.key(seed)
    ks = jax.random.split(key, 12)
    x = jax.random.normal(ks[0], (8192, 768), dtype=jnp.float32)
    We1, be1 = _lin_params(ks[1], 2048, 768)
    g1 = jnp.ones((2048,), jnp.float32); bn1 = jnp.zeros((2048,), jnp.float32)
    We2, be2 = _lin_params(ks[2], 1024, 2048)
    g2 = jnp.ones((1024,), jnp.float32); bn2 = jnp.zeros((1024,), jnp.float32)
    We3, be3 = _lin_params(ks[3], 256, 1024)
    codebook = jax.random.uniform(ks[4], (8192, 256), minval=-1.0, maxval=1.0, dtype=jnp.float32)
    Wd1, bd1 = _lin_params(ks[5], 1024, 256)
    gd1 = jnp.ones((1024,), jnp.float32); bdn1 = jnp.zeros((1024,), jnp.float32)
    Wd2, bd2 = _lin_params(ks[6], 2048, 1024)
    gd2 = jnp.ones((2048,), jnp.float32); bdn2 = jnp.zeros((2048,), jnp.float32)
    Wd3, bd3 = _lin_params(ks[7], 768, 2048)
    return {"x": x, "We1": We1, "be1": be1, "g1": g1, "bn1": bn1,
            "We2": We2, "be2": be2, "g2": g2, "bn2": bn2,
            "We3": We3, "be3": be3, "codebook": codebook,
            "Wd1": Wd1, "bd1": bd1, "gd1": gd1, "bdn1": bdn1,
            "Wd2": Wd2, "bd2": bd2, "gd2": gd2, "bdn2": bdn2,
            "Wd3": Wd3, "bd3": bd3}


def reference(x, We1, be1, g1, bn1, We2, be2, g2, bn2, We3, be3, codebook,
              Wd1, bd1, gd1, bdn1, Wd2, bd2, gd2, bdn2, Wd3, bd3):
    commitment_cost = 0.25
    # encoder
    h = jax.nn.elu(layer_norm(x @ We1.T + be1, g1, bn1))
    h = jax.nn.elu(layer_norm(h @ We2.T + be2, g2, bn2))
    e = h @ We3.T + be3
    # vector quantizer
    distances = (jnp.sum(e ** 2, axis=1, keepdims=True)
                 - 2.0 * (e @ codebook.T)
                 + jnp.sum(codebook ** 2, axis=1))
    encoding_indices = jnp.argmin(distances, axis=1)
    quantized = jnp.take(codebook, encoding_indices, axis=0)
    vq_loss = (jnp.mean((jax.lax.stop_gradient(e) - quantized) ** 2)
               + commitment_cost * jnp.mean((e - jax.lax.stop_gradient(quantized)) ** 2))
    q_st = e + jax.lax.stop_gradient(quantized - e)
    # decoder
    d = jax.nn.elu(layer_norm(q_st @ Wd1.T + bd1, gd1, bdn1))
    d = jax.nn.elu(layer_norm(d @ Wd2.T + bd2, gd2, bdn2))
    xhat = d @ Wd3.T + bd3
    return (xhat, vq_loss, encoding_indices)

if __name__ == "__main__":
    import jax
    _d = setup_inputs()
    print(jax.jit(kernel)(*tuple(_d.values())))

</pallas_src>

<mosaic_0001>
#map = affine_map<(d0, d1) -> (0, 0)>
#map1 = affine_map<(d0, d1) -> (0)>
module attributes {stable_mosaic.version = 14 : i64} {
  func.func @k(%arg0: i32, %arg1: i32, %arg2: memref<8192x256xf32, #tpu.memory_space<hbm>>, %arg3: memref<8192xi32, #tpu.memory_space<hbm>>, %arg4: memref<8192x256xf32, #tpu.memory_space<hbm>>, %arg5: memref<256xi32, #tpu.memory_space<vmem>>, %arg6: memref<256x256xf32, #tpu.memory_space<vmem>>, %arg7: memref<!tpu.dma_semaphore, #tpu.memory_space<semaphore_mem>>, %arg8: memref<!tpu.dma_semaphore, #tpu.memory_space<semaphore_mem>>) attributes {dimension_semantics = [#tpu.dimension_semantics<core_parallel>, #tpu.dimension_semantics<subcore_parallel>], iteration_bounds = array<i64: 2, 16>, scalar_prefetch = 0 : i64, scratch_operands = 4 : i64, tpu.core_type = #tpu.core_type<sc_vector_subcore>, window_params = [{transform_indices = #map}, {transform_indices = #map1}, {transform_indices = #map}]} {
    %mul3A = arith.constant 2 : i32
    %mul3A_0 = arith.muli %arg1, %mul3A : i32
    %add3A = arith.addi %mul3A_0, %arg0 : i32
    %mul3A_1 = arith.constant 256 : i32
    %mul3A_2 = arith.muli %add3A, %mul3A_1 : i32
    "tpu.region"() ({
      %run_scoped3A = tpu.sem_alloc : memref<!tpu.dma_semaphore, #tpu.memory_space<semaphore_mem>>
      %dma_start3A_305 = tpu.memref_slice %arg3[%mul3A_2] : memref<8192xi32, #tpu.memory_space<hbm>> -> memref<256xi32, #tpu.memory_space<hbm>>
      %dma_start3A_306 = tpu.memref_slice %arg3[%mul3A_2] : memref<8192xi32, #tpu.memory_space<hbm>> -> memref<256xi32, #tpu.memory_space<hbm>>
      tpu.enqueue_dma source(%dma_start3A_306 : memref<256xi32, #tpu.memory_space<hbm>>) target(%arg5 : memref<256xi32, #tpu.memory_space<vmem>>) target_semaphore(%run_scoped3A : memref<!tpu.dma_semaphore, #tpu.memory_space<semaphore_mem>>)
      %dma_wait3A_307 = tpu.memref_slice %arg3[%mul3A_2] : memref<8192xi32, #tpu.memory_space<hbm>> -> memref<256xi32, #tpu.memory_space<hbm>>
      %dma_wait3A_308 = tpu.memref_slice %arg3[%mul3A_2] : memref<8192xi32, #tpu.memory_space<hbm>> -> memref<256xi32, #tpu.memory_space<hbm>>
      tpu.wait_dma2 semaphore(%run_scoped3A : memref<!tpu.dma_semaphore, #tpu.memory_space<semaphore_mem>>) src(%dma_wait3A_308 : memref<256xi32, #tpu.memory_space<hbm>>) dst(%arg5 : memref<256xi32, #tpu.memory_space<vmem>>)
      tpu.yield
    }) : () -> ()
    %dma_start3A = arith.constant 0 : i32
    %dma_start3A_3 = arith.constant 0 : i32
    %dma_start3A_4 = tpu.memref_slice %arg6[%dma_start3A, %dma_start3A_3] : memref<256x256xf32, #tpu.memory_space<vmem>> -> memref<32x256xf32, #tpu.memory_space<vmem>>
    %dma_start3A_5 = arith.constant 0 : i32
    %dma_start3A_6 = tpu.memref_slice %arg5[%dma_start3A_5] : memref<256xi32, #tpu.memory_space<vmem>> -> memref<32xi32, #tpu.memory_space<vmem>>
    %dma_start3A_7 = arith.constant 0 : i32
    %dma_start3A_8 = arith.constant 0 : i32
    %dma_start3A_9 = tpu.memref_slice %arg2[%dma_start3A_7, %dma_start3A_8] : memref<8192x256xf32, #tpu.memory_space<hbm>> -> memref<8192x256xf32, #tpu.memory_space<hbm>>
    tpu.enqueue_indirect_dma source(%dma_start3A_9 : memref<8192x256xf32, #tpu.memory_space<hbm>>) target(%dma_start3A_4 : memref<32x256xf32, #tpu.memory_space<vmem>>) offsets(%dma_start3A_6 : memref<32xi32, #tpu.memory_space<vmem>>) semaphore(%arg7 : memref<!tpu.dma_semaphore, #tpu.memory_space<semaphore_mem>>)
    %dma_start3A_10 = arith.constant 32 : i32
    %dma_start3A_11 = arith.constant 0 : i32
    %dma_start3A_12 = tpu.memref_slice %arg6[%dma_start3A_10, %dma_start3A_11] : memref<256x256xf32, #tpu.memory_space<vmem>> -> memref<32x256xf32, #tpu.memory_space<vmem>>
    %dma_start3A_13 = arith.constant 32 : i32
    %dma_start3A_14 = tpu.memref_slice %arg5[%dma_start3A_13] : memref<256xi32, #tpu.memory_space<vmem>> -> memref<32xi32, #tpu.memory_space<vmem>>
    %dma_start3A_15 = arith.constant 0 : i32
    %dma_start3A_16 = arith.constant 0 : i32
    %dma_start3A_17 = tpu.memref_slice %arg2[%dma_start3A_15, %dma_start3A_16] : memref<8192x256xf32, #tpu.memory_space<hbm>> -> memref<8192x256xf32, #tpu.memory_space<hbm>>
    tpu.enqueue_indirect_dma source(%dma_start3A_17 : memref<8192x256xf32, #tpu.memory_space<hbm>>) target(%dma_start3A_12 : memref<32x256xf32, #tpu.memory_space<vmem>>) offsets(%dma_start3A_14 : memref<32xi32, #tpu.memory_space<vmem>>) semaphore(%arg7 : memref<!tpu.dma_semaphore, #tpu.memory_space<semaphore_mem>>)
    %dma_start3A_18 = arith.constant 64 : i32
    %dma_start3A_19 = arith.constant 0 : i32
    %dma_start3A_20 = tpu.memref_slice %arg6[%dma_start3A_18, %dma_start3A_19] : memref<256x256xf32, #tpu.memory_space<vmem>> -> memref<32x256xf32, #tpu.memory_space<vmem>>
    %dma_start3A_21 = arith.constant 64 : i32
    %dma_start3A_22 = tpu.memref_slice %arg5[%dma_start3A_21] : memref<256xi32, #tpu.memory_space<vmem>> -> memref<32xi32, #tpu.memory_space<vmem>>
    %dma_start3A_23 = arith.constant 0 : i32
    %dma_start3A_24 = arith.constant 0 : i32
    %dma_start3A_25 = tpu.memref_slice %arg2[%dma_start3A_23, %dma_start3A_24] : memref<8192x256xf32, #tpu.memory_space<hbm>> -> memref<8192x256xf32, #tpu.memory_space<hbm>>
    tpu.enqueue_indirect_dma source(%dma_start3A_25 : memref<8192x256xf32, #tpu.memory_space<hbm>>) target(%dma_start3A_20 : memref<32x256xf32, #tpu.memory_space<vmem>>) offsets(%dma_start3A_22 : memref<32xi32, #tpu.memory_space<vmem>>) semaphore(%arg7 : memref<!tpu.dma_semaphore, #tpu.memory_space<semaphore_mem>>)
    %dma_start3A_26 = arith.constant 96 : i32
    %dma_start3A_27 = arith.constant 0 : i32
    %dma_start3A_28 = tpu.memref_slice %arg6[%dma_start3A_26, %dma_start3A_27] : memref<256x256xf32, #tpu.memory_space<vmem>> -> memref<32x256xf32, #tpu.memory_space<vmem>>
    %dma_start3A_29 = arith.constant 96 : i32
    %dma_start3A_30 = tpu.memref_slice %arg5[%dma_start3A_29] : memref<256xi32, #tpu.memory_space<vmem>> -> memref<32xi32, #tpu.memory_space<vmem>>
    %dma_start3A_31 = arith.constant 0 : i32
    %dma_start3A_32 = arith.constant 0 : i32
    %dma_start3A_33 = tpu.memref_slice %arg2[%dma_start3A_31, %dma_start3A_32] : memref<8192x256xf32, #tpu.memory_space<hbm>> -> memref<8192x256xf32, #tpu.memory_space<hbm>>
    tpu.enqueue_indirect_dma source(%dma_start3A_33 : memref<8192x256xf32, #tpu.memory_space<hbm>>) target(%dma_start3A_28 : memref<32x256xf32, #tpu.memory_space<vmem>>) offsets(%dma_start3A_30 : memref<32xi32, #tpu.memory_space<vmem>>) semaphore(%arg7 : memref<!tpu.dma_semaphore, #tpu.memory_space<semaphore_mem>>)
    %dma_start3A_34 = arith.constant 128 : i32
    %dma_start3A_35 = arith.constant 0 : i32
    %dma_start3A_36 = tpu.memref_slice %arg6[%dma_start3A_34, %dma_start3A_35] : memref<256x256xf32, #tpu.memory_space<vmem>> -> memref<32x256xf32, #tpu.memory_space<vmem>>
    %dma_start3A_37 = arith.constant 128 : i32
    %dma_start3A_38 = tpu.memref_slice %arg5[%dma_start3A_37] : memref<256xi32, #tpu.memory_space<vmem>> -> memref<32xi32, #tpu.memory_space<vmem>>
    %dma_start3A_39 = arith.constant 0 : i32
    %dma_start3A_40 = arith.constant 0 : i32
    %dma_start3A_41 = tpu.memref_slice %arg2[%dma_start3A_39, %dma_start3A_40] : memref<8192x256xf32, #tpu.memory_space<hbm>> -> memref<8192x256xf32, #tpu.memory_space<hbm>>
    tpu.enqueue_indirect_dma source(%dma_start3A_41 : memref<8192x256xf32, #tpu.memory_space<hbm>>) target(%dma_start3A_36 : memref<32x256xf32, #tpu.memory_space<vmem>>) offsets(%dma_start3A_38 : memref<32xi32, #tpu.memory_space<vmem>>) semaphore(%arg7 : memref<!tpu.dma_semaphore, #tpu.memory_space<semaphore_mem>>)
    %dma_start3A_42 = arith.constant 160 : i32
    %dma_start3A_43 = arith.constant 0 : i32
    %dma_start3A_44 = tpu.memref_slice %arg6[%dma_start3A_42, %dma_start3A_43] : memref<256x256xf32, #tpu.memory_space<vmem>> -> memref<32x256xf32, #tpu.memory_space<vmem>>
    %dma_start3A_45 = arith.constant 160 : i32
    %dma_start3A_46 = tpu.memref_slice %arg5[%dma_start3A_45] : memref<256xi32, #tpu.memory_space<vmem>> -> memref<32xi32, #tpu.memory_space<vmem>>
    %dma_start3A_47 = arith.constant 0 : i32
    %dma_start3A_48 = arith.constant 0 : i32
    %dma_start3A_49 = tpu.memref_slice %arg2[%dma_start3A_47, %dma_start3A_48] : memref<8192x256xf32, #tpu.memory_space<hbm>> -> memref<8192x256xf32, #tpu.memory_space<hbm>>
    tpu.enqueue_indirect_dma source(%dma_start3A_49 : memref<8192x256xf32, #tpu.memory_space<hbm>>) target(%dma_start3A_44 : memref<32x256xf32, #tpu.memory_space<vmem>>) offsets(%dma_start3A_46 : memref<32xi32, #tpu.memory_space<vmem>>) semaphore(%arg7 : memref<!tpu.dma_semaphore, #tpu.memory_space<semaphore_mem>>)
    %dma_start3A_50 = arith.constant 192 : i32
    %dma_start3A_51 = arith.constant 0 : i32
    %dma_start3A_52 = tpu.memref_slice %arg6[%dma_start3A_50, %dma_start3A_51] : memref<256x256xf32, #tpu.memory_space<vmem>> -> memref<32x256xf32, #tpu.memory_space<vmem>>
    %dma_start3A_53 = arith.constant 192 : i32
    %dma_start3A_54 = tpu.memref_slice %arg5[%dma_start3A_53] : memref<256xi32, #tpu.memory_space<vmem>> -> memref<32xi32, #tpu.memory_space<vmem>>
    %dma_start3A_55 = arith.constant 0 : i32
    %dma_start3A_56 = arith.constant 0 : i32
    %dma_start3A_57 = tpu.memref_slice %arg2[%dma_start3A_55, %dma_start3A_56] : memref<8192x256xf32, #tpu.memory_space<hbm>> -> memref<8192x256xf32, #tpu.memory_space<hbm>>
    tpu.enqueue_indirect_dma source(%dma_start3A_57 : memref<8192x256xf32, #tpu.memory_space<hbm>>) target(%dma_start3A_52 : memref<32x256xf32, #tpu.memory_space<vmem>>) offsets(%dma_start3A_54 : memref<32xi32, #tpu.memory_space<vmem>>) semaphore(%arg7 : memref<!tpu.dma_semaphore, #tpu.memory_space<semaphore_mem>>)
    %dma_start3A_58 = arith.constant 224 : i32
    %dma_start3A_59 = arith.constant 0 : i32
    %dma_start3A_60 = tpu.memref_slice %arg6[%dma_start3A_58, %dma_start3A_59] : memref<256x256xf32, #tpu.memory_space<vmem>> -> memref<32x256xf32, #tpu.memory_space<vmem>>
    %dma_start3A_61 = arith.constant 224 : i32
    %dma_start3A_62 = tpu.memref_slice %arg5[%dma_start3A_61] : memref<256xi32, #tpu.memory_space<vmem>> -> memref<32xi32, #tpu.memory_space<vmem>>
    %dma_start3A_63 = arith.constant 0 : i32
    %dma_start3A_64 = arith.constant 0 : i32
    %dma_start3A_65 = tpu.memref_slice %arg2[%dma_start3A_63, %dma_start3A_64] : memref<8192x256xf32, #tpu.memory_space<hbm>> -> memref<8192x256xf32, #tpu.memory_space<hbm>>
    tpu.enqueue_indirect_dma source(%dma_start3A_65 : memref<8192x256xf32, #tpu.memory_space<hbm>>) target(%dma_start3A_60 : memref<32x256xf32, #tpu.memory_space<vmem>>) offsets(%dma_start3A_62 : memref<32xi32, #tpu.memory_space<vmem>>) semaphore(%arg7 : memref<!tpu.dma_semaphore, #tpu.memory_space<semaphore_mem>>)
    %dma_wait3A = arith.constant 0 : i32
    %dma_wait3A_66 = arith.constant 0 : i32
    %dma_wait3A_67 = tpu.memref_slice %arg6[%dma_wait3A, %dma_wait3A_66] : memref<256x256xf32, #tpu.memory_space<vmem>> -> memref<32x256xf32, #tpu.memory_space<vmem>>
    %dma_wait3A_68 = arith.constant 0 : i32
    %dma_wait3A_69 = tpu.memref_slice %arg5[%dma_wait3A_68] : memref<256xi32, #tpu.memory_space<vmem>> -> memref<32xi32, #tpu.memory_space<vmem>>
    %dma_wait3A_70 = arith.constant 0 : i32
    %dma_wait3A_71 = arith.constant 0 : i32
    %dma_wait3A_72 = tpu.memref_slice %arg2[%dma_wait3A_70, %dma_wait3A_71] : memref<8192x256xf32, #tpu.memory_space<hbm>> -> memref<8192x256xf32, #tpu.memory_space<hbm>>
    tpu.wait_indirect_dma semaphore(%arg7 : memref<!tpu.dma_semaphore, #tpu.memory_space<semaphore_mem>>) src(%dma_wait3A_72 : memref<8192x256xf32, #tpu.memory_space<hbm>>) dst(%dma_wait3A_67 : memref<32x256xf32, #tpu.memory_space<vmem>>)
    %add3A_73 = arith.constant 0 : i32
    %add3A_74 = arith.addi %mul3A_2, %add3A_73 : i32
    %dma_start3A_75 = arith.constant 0 : i32
    %dma_start3A_76 = arith.constant 0 : i32
    %dma_start3A_77 = tpu.memref_slice %arg6[%dma_start3A_75, %dma_start3A_76] : memref<256x256xf32, #tpu.memory_space<vmem>> -> memref<32x256xf32, #tpu.memory_space<vmem>>
    %dma_start3A_78 = arith.constant 0 : i32
    %dma_start3A_79 = tpu.memref_slice %arg4[%add3A_74, %dma_start3A_78] : memref<8192x256xf32, #tpu.memory_space<hbm>> -> memref<32x256xf32, #tpu.memory_space<hbm>>
    %dma_start3A_80 = arith.constant 0 : i32
    %dma_start3A_81 = tpu.memref_slice %arg4[%add3A_74, %dma_start3A_80] : memref<8192x256xf32, #tpu.memory_space<hbm>> -> memref<32x256xf32, #tpu.memory_space<hbm>>
    %dma_start3A_82 = arith.constant 0 : i32
    %dma_start3A_83 = arith.constant 0 : i32
    %dma_start3A_84 = tpu.memref_slice %arg6[%dma_start3A_82, %dma_start3A_83] : memref<256x256xf32, #tpu.memory_space<vmem>> -> memref<32x256xf32, #tpu.memory_space<vmem>>
    tpu.enqueue_dma source(%dma_start3A_84 : memref<32x256xf32, #tpu.memory_space<vmem>>) target(%dma_start3A_81 : memref<32x256xf32, #tpu.memory_space<hbm>>) target_semaphore(%arg8 : memref<!tpu.dma_semaphore, #tpu.memory_space<semaphore_mem>>)
    %dma_wait3A_85 = arith.constant 32 : i32
    %dma_wait3A_86 = arith.constant 0 : i32
    %dma_wait3A_87 = tpu.memref_slice %arg6[%dma_wait3A_85, %dma_wait3A_86] : memref<256x256xf32, #tpu.memory_space<vmem>> -> memref<32x256xf32, #tpu.memory_space<vmem>>
    %dma_wait3A_88 = arith.constant 32 : i32
    %dma_wait3A_89 = tpu.memref_slice %arg5[%dma_wait3A_88] : memref<256xi32, #tpu.memory_space<vmem>> -> memref<32xi32, #tpu.memory_space<vmem>>
    %dma_wait3A_90 = arith.constant 0 : i32
    %dma_wait3A_91 = arith.constant 0 : i32
    %dma_wait3A_92 = tpu.memref_slice %arg2[%dma_wait3A_90, %dma_wait3A_91] : memref<8192x256xf32, #tpu.memory_space<hbm>> -> memref<8192x256xf32, #tpu.memory_space<hbm>>
    tpu.wait_indirect_dma semaphore(%arg7 : memref<!tpu.dma_semaphore, #tpu.memory_space<semaphore_mem>>) src(%dma_wait3A_92 : memref<8192x256xf32, #tpu.memory_space<hbm>>) dst(%dma_wait3A_87 : memref<32x256xf32, #tpu.memory_space<vmem>>)
    %add3A_93 = arith.constant 32 : i32
    %add3A_94 = arith.addi %mul3A_2, %add3A_93 : i32
    %dma_start3A_95 = arith.constant 32 : i32
    %dma_start3A_96 = arith.constant 0 : i32
    %dma_start3A_97 = tpu.memref_slice %arg6[%dma_start3A_95, %dma_start3A_96] : memref<256x256xf32, #tpu.memory_space<vmem>> -> memref<32x256xf32, #tpu.memory_space<vmem>>
    %dma_start3A_98 = arith.constant 0 : i32
    %dma_start3A_99 = tpu.memref_slice %arg4[%add3A_94, %dma_start3A_98] : memref<8192x256xf32, #tpu.memory_space<hbm>> -> memref<32x256xf32, #tpu.memory_space<hbm>>
    %dma_start3A_100 = arith.constant 0 : i32
    %dma_start3A_101 = tpu.memref_slice %arg4[%add3A_94, %dma_start3A_100] : memref<8192x256xf32, #tpu.memory_space<hbm>> -> memref<32x256xf32, #tpu.memory_space<hbm>>
    %dma_start3A_102 = arith.constant 32 : i32
    %dma_start3A_103 = arith.constant 0 : i32
    %dma_start3A_104 = tpu.memref_slice %arg6[%dma_start3A_102, %dma_start3A_103] : memref<256x256xf32, #tpu.memory_space<vmem>> -> memref<32x256xf32, #tpu.memory_space<vmem>>
    tpu.enqueue_dma source(%dma_start3A_104 : memref<32x256xf32, #tpu.memory_space<vmem>>) target(%dma_start3A_101 : memref<32x256xf32, #tpu.memory_space<hbm>>) target_semaphore(%arg8 : memref<!tpu.dma_semaphore, #tpu.memory_space<semaphore_mem>>)
    %dma_wait3A_105 = arith.constant 64 : i32
    %dma_wait3A_106 = arith.constant 0 : i32
    %dma_wait3A_107 = tpu.memref_slice %arg6[%dma_wait3A_105, %dma_wait3A_106] : memref<256x256xf32, #tpu.memory_space<vmem>> -> memref<32x256xf32, #tpu.memory_space<vmem>>
    %dma_wait3A_108 = arith.constant 64 : i32
    %dma_wait3A_109 = tpu.memref_slice %arg5[%dma_wait3A_108] : memref<256xi32, #tpu.memory_space<vmem>> -> memref<32xi32, #tpu.memory_space<vmem>>
    %dma_wait3A_110 = arith.constant 0 : i32
    %dma_wait3A_111 = arith.constant 0 : i32
    %dma_wait3A_112 = tpu.memref_slice %arg2[%dma_wait3A_110, %dma_wait3A_111] : memref<8192x256xf32, #tpu.memory_space<hbm>> -> memref<8192x256xf32, #tpu.memory_space<hbm>>
    tpu.wait_indirect_dma semaphore(%arg7 : memref<!tpu.dma_semaphore, #tpu.memory_space<semaphore_mem>>) src(%dma_wait3A_112 : memref<8192x256xf32, #tpu.memory_space<hbm>>) dst(%dma_wait3A_107 : memref<32x256xf32, #tpu.memory_space<vmem>>)
    %add3A_113 = arith.constant 64 : i32
    %add3A_114 = arith.addi %mul3A_2, %add3A_113 : i32
    %dma_start3A_115 = arith.constant 64 : i32
    %dma_start3A_116 = arith.constant 0 : i32
    %dma_start3A_117 = tpu.memref_slice %arg6[%dma_start3A_115, %dma_start3A_116] : memref<256x256xf32, #tpu.memory_space<vmem>> -> memref<32x256xf32, #tpu.memory_space<vmem>>
    %dma_start3A_118 = arith.constant 0 : i32
    %dma_start3A_119 = tpu.memref_slice %arg4[%add3A_114, %dma_start3A_118] : memref<8192x256xf32, #tpu.memory_space<hbm>> -> memref<32x256xf32, #tpu.memory_space<hbm>>
    %dma_start3A_120 = arith.constant 0 : i32
    %dma_start3A_121 = tpu.memref_slice %arg4[%add3A_114, %dma_start3A_120] : memref<8192x256xf32, #tpu.memory_space<hbm>> -> memref<32x256xf32, #tpu.memory_space<hbm>>
    %dma_start3A_122 = arith.constant 64 : i32
    %dma_start3A_123 = arith.constant 0 : i32
    %dma_start3A_124 = tpu.memref_slice %arg6[%dma_start3A_122, %dma_start3A_123] : memref<256x256xf32, #tpu.memory_space<vmem>> -> memref<32x256xf32, #tpu.memory_space<vmem>>
    tpu.enqueue_dma source(%dma_start3A_124 : memref<32x256xf32, #tpu.memory_space<vmem>>) target(%dma_start3A_121 : memref<32x256xf32, #tpu.memory_space<hbm>>) target_semaphore(%arg8 : memref<!tpu.dma_semaphore, #tpu.memory_space<semaphore_mem>>)
    %dma_wait3A_125 = arith.constant 96 : i32
    %dma_wait3A_126 = arith.constant 0 : i32
    %dma_wait3A_127 = tpu.memref_slice %arg6[%dma_wait3A_125, %dma_wait3A_126] : memref<256x256xf32, #tpu.memory_space<vmem>> -> memref<32x256xf32, #tpu.memory_space<vmem>>
    %dma_wait3A_128 = arith.constant 96 : i32
    %dma_wait3A_129 = tpu.memref_slice %arg5[%dma_wait3A_128] : memref<256xi32, #tpu.memory_space<vmem>> -> memref<32xi32, #tpu.memory_space<vmem>>
    %dma_wait3A_130 = arith.constant 0 : i32
    %dma_wait3A_131 = arith.constant 0 : i32
    %dma_wait3A_132 = tpu.memref_slice %arg2[%dma_wait3A_130, %dma_wait3A_131] : memref<8192x256xf32, #tpu.memory_space<hbm>> -> memref<8192x256xf32, #tpu.memory_space<hbm>>
    tpu.wait_indirect_dma semaphore(%arg7 : memref<!tpu.dma_semaphore, #tpu.memory_space<semaphore_mem>>) src(%dma_wait3A_132 : memref<8192x256xf32, #tpu.memory_space<hbm>>) dst(%dma_wait3A_127 : memref<32x256xf32, #tpu.memory_space<vmem>>)
    %add3A_133 = arith.constant 96 : i32
    %add3A_134 = arith.addi %mul3A_2, %add3A_133 : i32
    %dma_start3A_135 = arith.constant 96 : i32
    %dma_start3A_136 = arith.constant 0 : i32
    %dma_start3A_137 = tpu.memref_slice %arg6[%dma_start3A_135, %dma_start3A_136] : memref<256x256xf32, #tpu.memory_space<vmem>> -> memref<32x256xf32, #tpu.memory_space<vmem>>
    %dma_start3A_138 = arith.constant 0 : i32
    %dma_start3A_139 = tpu.memref_slice %arg4[%add3A_134, %dma_start3A_138] : memref<8192x256xf32, #tpu.memory_space<hbm>> -> memref<32x256xf32, #tpu.memory_space<hbm>>
    %dma_start3A_140 = arith.constant 0 : i32
    %dma_start3A_141 = tpu.memref_slice %arg4[%add3A_134, %dma_start3A_140] : memref<8192x256xf32, #tpu.memory_space<hbm>> -> memref<32x256xf32, #tpu.memory_space<hbm>>
    %dma_start3A_142 = arith.constant 96 : i32
    %dma_start3A_143 = arith.constant 0 : i32
    %dma_start3A_144 = tpu.memref_slice %arg6[%dma_start3A_142, %dma_start3A_143] : memref<256x256xf32, #tpu.memory_space<vmem>> -> memref<32x256xf32, #tpu.memory_space<vmem>>
    tpu.enqueue_dma source(%dma_start3A_144 : memref<32x256xf32, #tpu.memory_space<vmem>>) target(%dma_start3A_141 : memref<32x256xf32, #tpu.memory_space<hbm>>) target_semaphore(%arg8 : memref<!tpu.dma_semaphore, #tpu.memory_space<semaphore_mem>>)
    %dma_wait3A_145 = arith.constant 128 : i32
    %dma_wait3A_146 = arith.constant 0 : i32
    %dma_wait3A_147 = tpu.memref_slice %arg6[%dma_wait3A_145, %dma_wait3A_146] : memref<256x256xf32, #tpu.memory_space<vmem>> -> memref<32x256xf32, #tpu.memory_space<vmem>>
    %dma_wait3A_148 = arith.constant 128 : i32
    %dma_wait3A_149 = tpu.memref_slice %arg5[%dma_wait3A_148] : memref<256xi32, #tpu.memory_space<vmem>> -> memref<32xi32, #tpu.memory_space<vmem>>
    %dma_wait3A_150 = arith.constant 0 : i32
    %dma_wait3A_151 = arith.constant 0 : i32
    %dma_wait3A_152 = tpu.memref_slice %arg2[%dma_wait3A_150, %dma_wait3A_151] : memref<8192x256xf32, #tpu.memory_space<hbm>> -> memref<8192x256xf32, #tpu.memory_space<hbm>>
    tpu.wait_indirect_dma semaphore(%arg7 : memref<!tpu.dma_semaphore, #tpu.memory_space<semaphore_mem>>) src(%dma_wait3A_152 : memref<8192x256xf32, #tpu.memory_space<hbm>>) dst(%dma_wait3A_147 : memref<32x256xf32, #tpu.memory_space<vmem>>)
    %add3A_153 = arith.constant 128 : i32
    %add3A_154 = arith.addi %mul3A_2, %add3A_153 : i32
    %dma_start3A_155 = arith.constant 128 : i32
    %dma_start3A_156 = arith.constant 0 : i32
    %dma_start3A_157 = tpu.memref_slice %arg6[%dma_start3A_155, %dma_start3A_156] : memref<256x256xf32, #tpu.memory_space<vmem>> -> memref<32x256xf32, #tpu.memory_space<vmem>>
    %dma_start3A_158 = arith.constant 0 : i32
    %dma_start3A_159 = tpu.memref_slice %arg4[%add3A_154, %dma_start3A_158] : memref<8192x256xf32, #tpu.memory_space<hbm>> -> memref<32x256xf32, #tpu.memory_space<hbm>>
    %dma_start3A_160 = arith.constant 0 : i32
    %dma_start3A_161 = tpu.memref_slice %arg4[%add3A_154, %dma_start3A_160] : memref<8192x256xf32, #tpu.memory_space<hbm>> -> memref<32x256xf32, #tpu.memory_space<hbm>>
    %dma_start3A_162 = arith.constant 128 : i32
    %dma_start3A_163 = arith.constant 0 : i32
    %dma_start3A_164 = tpu.memref_slice %arg6[%dma_start3A_162, %dma_start3A_163] : memref<256x256xf32, #tpu.memory_space<vmem>> -> memref<32x256xf32, #tpu.memory_space<vmem>>
    tpu.enqueue_dma source(%dma_start3A_164 : memref<32x256xf32, #tpu.memory_space<vmem>>) target(%dma_start3A_161 : memref<32x256xf32, #tpu.memory_space<hbm>>) target_semaphore(%arg8 : memref<!tpu.dma_semaphore, #tpu.memory_space<semaphore_mem>>)
    %dma_wait3A_165 = arith.constant 160 : i32
    %dma_wait3A_166 = arith.constant 0 : i32
    %dma_wait3A_167 = tpu.memref_slice %arg6[%dma_wait3A_165, %dma_wait3A_166] : memref<256x256xf32, #tpu.memory_space<vmem>> -> memref<32x256xf32, #tpu.memory_space<vmem>>
    %dma_wait3A_168 = arith.constant 160 : i32
    %dma_wait3A_169 = tpu.memref_slice %arg5[%dma_wait3A_168] : memref<256xi32, #tpu.memory_space<vmem>> -> memref<32xi32, #tpu.memory_space<vmem>>
    %dma_wait3A_170 = arith.constant 0 : i32
    %dma_wait3A_171 = arith.constant 0 : i32
    %dma_wait3A_172 = tpu.memref_slice %arg2[%dma_wait3A_170, %dma_wait3A_171] : memref<8192x256xf32, #tpu.memory_space<hbm>> -> memref<8192x256xf32, #tpu.memory_space<hbm>>
    tpu.wait_indirect_dma semaphore(%arg7 : memref<!tpu.dma_semaphore, #tpu.memory_space<semaphore_mem>>) src(%dma_wait3A_172 : memref<8192x256xf32, #tpu.memory_space<hbm>>) dst(%dma_wait3A_167 : memref<32x256xf32, #tpu.memory_space<vmem>>)
    %add3A_173 = arith.constant 160 : i32
    %add3A_174 = arith.addi %mul3A_2, %add3A_173 : i32
    %dma_start3A_175 = arith.constant 160 : i32
    %dma_start3A_176 = arith.constant 0 : i32
    %dma_start3A_177 = tpu.memref_slice %arg6[%dma_start3A_175, %dma_start3A_176] : memref<256x256xf32, #tpu.memory_space<vmem>> -> memref<32x256xf32, #tpu.memory_space<vmem>>
    %dma_start3A_178 = arith.constant 0 : i32
    %dma_start3A_179 = tpu.memref_slice %arg4[%add3A_174, %dma_start3A_178] : memref<8192x256xf32, #tpu.memory_space<hbm>> -> memref<32x256xf32, #tpu.memory_space<hbm>>
    %dma_start3A_180 = arith.constant 0 : i32
    %dma_start3A_181 = tpu.memref_slice %arg4[%add3A_174, %dma_start3A_180] : memref<8192x256xf32, #tpu.memory_space<hbm>> -> memref<32x256xf32, #tpu.memory_space<hbm>>
    %dma_start3A_182 = arith.constant 160 : i32
    %dma_start3A_183 = arith.constant 0 : i32
    %dma_start3A_184 = tpu.memref_slice %arg6[%dma_start3A_182, %dma_start3A_183] : memref<256x256xf32, #tpu.memory_space<vmem>> -> memref<32x256xf32, #tpu.memory_space<vmem>>
    tpu.enqueue_dma source(%dma_start3A_184 : memref<32x256xf32, #tpu.memory_space<vmem>>) target(%dma_start3A_181 : memref<32x256xf32, #tpu.memory_space<hbm>>) target_semaphore(%arg8 : memref<!tpu.dma_semaphore, #tpu.memory_space<semaphore_mem>>)
    %dma_wait3A_185 = arith.constant 192 : i32
    %dma_wait3A_186 = arith.constant 0 : i32
    %dma_wait3A_187 = tpu.memref_slice %arg6[%dma_wait3A_185, %dma_wait3A_186] : memref<256x256xf32, #tpu.memory_space<vmem>> -> memref<32x256xf32, #tpu.memory_space<vmem>>
    %dma_wait3A_188 = arith.constant 192 : i32
    %dma_wait3A_189 = tpu.memref_slice %arg5[%dma_wait3A_188] : memref<256xi32, #tpu.memory_space<vmem>> -> memref<32xi32, #tpu.memory_space<vmem>>
    %dma_wait3A_190 = arith.constant 0 : i32
    %dma_wait3A_191 = arith.constant 0 : i32
    %dma_wait3A_192 = tpu.memref_slice %arg2[%dma_wait3A_190, %dma_wait3A_191] : memref<8192x256xf32, #tpu.memory_space<hbm>> -> memref<8192x256xf32, #tpu.memory_space<hbm>>
    tpu.wait_indirect_dma semaphore(%arg7 : memref<!tpu.dma_semaphore, #tpu.memory_space<semaphore_mem>>) src(%dma_wait3A_192 : memref<8192x256xf32, #tpu.memory_space<hbm>>) dst(%dma_wait3A_187 : memref<32x256xf32, #tpu.memory_space<vmem>>)
    %add3A_193 = arith.constant 192 : i32
    %add3A_194 = arith.addi %mul3A_2, %add3A_193 : i32
    %dma_start3A_195 = arith.constant 192 : i32
    %dma_start3A_196 = arith.constant 0 : i32
    %dma_start3A_197 = tpu.memref_slice %arg6[%dma_start3A_195, %dma_start3A_196] : memref<256x256xf32, #tpu.memory_space<vmem>> -> memref<32x256xf32, #tpu.memory_space<vmem>>
    %dma_start3A_198 = arith.constant 0 : i32
    %dma_start3A_199 = tpu.memref_slice %arg4[%add3A_194, %dma_start3A_198] : memref<8192x256xf32, #tpu.memory_space<hbm>> -> memref<32x256xf32, #tpu.memory_space<hbm>>
    %dma_start3A_200 = arith.constant 0 : i32
    %dma_start3A_201 = tpu.memref_slice %arg4[%add3A_194, %dma_start3A_200] : memref<8192x256xf32, #tpu.memory_space<hbm>> -> memref<32x256xf32, #tpu.memory_space<hbm>>
    %dma_start3A_202 = arith.constant 192 : i32
    %dma_start3A_203 = arith.constant 0 : i32
    %dma_start3A_204 = tpu.memref_slice %arg6[%dma_start3A_202, %dma_start3A_203] : memref<256x256xf32, #tpu.memory_space<vmem>> -> memref<32x256xf32, #tpu.memory_space<vmem>>
    tpu.enqueue_dma source(%dma_start3A_204 : memref<32x256xf32, #tpu.memory_space<vmem>>) target(%dma_start3A_201 : memref<32x256xf32, #tpu.memory_space<hbm>>) target_semaphore(%arg8 : memref<!tpu.dma_semaphore, #tpu.memory_space<semaphore_mem>>)
    %dma_wait3A_205 = arith.constant 224 : i32
    %dma_wait3A_206 = arith.constant 0 : i32
    %dma_wait3A_207 = tpu.memref_slice %arg6[%dma_wait3A_205, %dma_wait3A_206] : memref<256x256xf32, #tpu.memory_space<vmem>> -> memref<32x256xf32, #tpu.memory_space<vmem>>
    %dma_wait3A_208 = arith.constant 224 : i32
    %dma_wait3A_209 = tpu.memref_slice %arg5[%dma_wait3A_208] : memref<256xi32, #tpu.memory_space<vmem>> -> memref<32xi32, #tpu.memory_space<vmem>>
    %dma_wait3A_210 = arith.constant 0 : i32
    %dma_wait3A_211 = arith.constant 0 : i32
    %dma_wait3A_212 = tpu.memref_slice %arg2[%dma_wait3A_210, %dma_wait3A_211] : memref<8192x256xf32, #tpu.memory_space<hbm>> -> memref<8192x256xf32, #tpu.memory_space<hbm>>
    tpu.wait_indirect_dma semaphore(%arg7 : memref<!tpu.dma_semaphore, #tpu.memory_space<semaphore_mem>>) src(%dma_wait3A_212 : memref<8192x256xf32, #tpu.memory_space<hbm>>) dst(%dma_wait3A_207 : memref<32x256xf32, #tpu.memory_space<vmem>>)
    %add3A_213 = arith.constant 224 : i32
    %add3A_214 = arith.addi %mul3A_2, %add3A_213 : i32
    %dma_start3A_215 = arith.constant 224 : i32
    %dma_start3A_216 = arith.constant 0 : i32
    %dma_start3A_217 = tpu.memref_slice %arg6[%dma_start3A_215, %dma_start3A_216] : memref<256x256xf32, #tpu.memory_space<vmem>> -> memref<32x256xf32, #tpu.memory_space<vmem>>
    %dma_start3A_218 = arith.constant 0 : i32
    %dma_start3A_219 = tpu.memref_slice %arg4[%add3A_214, %dma_start3A_218] : memref<8192x256xf32, #tpu.memory_space<hbm>> -> memref<32x256xf32, #tpu.memory_space<hbm>>
    %dma_start3A_220 = arith.constant 0 : i32
    %dma_start3A_221 = tpu.memref_slice %arg4[%add3A_214, %dma_start3A_220] : memref<8192x256xf32, #tpu.memory_space<hbm>> -> memref<32x256xf32, #tpu.memory_space<hbm>>
    %dma_start3A_222 = arith.constant 224 : i32
    %dma_start3A_223 = arith.constant 0 : i32
    %dma_start3A_224 = tpu.memref_slice %arg6[%dma_start3A_222, %dma_start3A_223] : memref<256x256xf32, #tpu.memory_space<vmem>> -> memref<32x256xf32, #tpu.memory_space<vmem>>
    tpu.enqueue_dma source(%dma_start3A_224 : memref<32x256xf32, #tpu.memory_space<vmem>>) target(%dma_start3A_221 : memref<32x256xf32, #tpu.memory_space<hbm>>) target_semaphore(%arg8 : memref<!tpu.dma_semaphore, #tpu.memory_space<semaphore_mem>>)
    %dma_wait3A_225 = arith.constant 0 : i32
    %dma_wait3A_226 = arith.constant 0 : i32
    %dma_wait3A_227 = tpu.memref_slice %arg6[%dma_wait3A_225, %dma_wait3A_226] : memref<256x256xf32, #tpu.memory_space<vmem>> -> memref<32x256xf32, #tpu.memory_space<vmem>>
    %dma_wait3A_228 = arith.constant 0 : i32
    %dma_wait3A_229 = tpu.memref_slice %arg4[%add3A_74, %dma_wait3A_228] : memref<8192x256xf32, #tpu.memory_space<hbm>> -> memref<32x256xf32, #tpu.memory_space<hbm>>
    %dma_wait3A_230 = arith.constant 0 : i32
    %dma_wait3A_231 = tpu.memref_slice %arg4[%add3A_74, %dma_wait3A_230] : memref<8192x256xf32, #tpu.memory_space<hbm>> -> memref<32x256xf32, #tpu.memory_space<hbm>>
    %dma_wait3A_232 = arith.constant 0 : i32
    %dma_wait3A_233 = arith.constant 0 : i32
    %dma_wait3A_234 = tpu.memref_slice %arg6[%dma_wait3A_232, %dma_wait3A_233] : memref<256x256xf32, #tpu.memory_space<vmem>> -> memref<32x256xf32, #tpu.memory_space<vmem>>
    tpu.wait_dma2 semaphore(%arg8 : memref<!tpu.dma_semaphore, #tpu.memory_space<semaphore_mem>>) src(%dma_wait3A_234 : memref<32x256xf32, #tpu.memory_space<vmem>>) dst(%dma_wait3A_231 : memref<32x256xf32, #tpu.memory_space<hbm>>)
    %dma_wait3A_235 = arith.constant 32 : i32
    %dma_wait3A_236 = arith.constant 0 : i32
    %dma_wait3A_237 = tpu.memref_slice %arg6[%dma_wait3A_235, %dma_wait3A_236] : memref<256x256xf32, #tpu.memory_space<vmem>> -> memref<32x256xf32, #tpu.memory_space<vmem>>
    %dma_wait3A_238 = arith.constant 0 : i32
    %dma_wait3A_239 = tpu.memref_slice %arg4[%add3A_94, %dma_wait3A_238] : memref<8192x256xf32, #tpu.memory_space<hbm>> -> memref<32x256xf32, #tpu.memory_space<hbm>>
    %dma_wait3A_240 = arith.constant 0 : i32
    %dma_wait3A_241 = tpu.memref_slice %arg4[%add3A_94, %dma_wait3A_240] : memref<8192x256xf32, #tpu.memory_space<hbm>> -> memref<32x256xf32, #tpu.memory_space<hbm>>
    %dma_wait3A_242 = arith.constant 32 : i32
    %dma_wait3A_243 = arith.constant 0 : i32
    %dma_wait3A_244 = tpu.memref_slice %arg6[%dma_wait3A_242, %dma_wait3A_243] : memref<256x256xf32, #tpu.memory_space<vmem>> -> memref<32x256xf32, #tpu.memory_space<vmem>>
    tpu.wait_dma2 semaphore(%arg8 : memref<!tpu.dma_semaphore, #tpu.memory_space<semaphore_mem>>) src(%dma_wait3A_244 : memref<32x256xf32, #tpu.memory_space<vmem>>) dst(%dma_wait3A_241 : memref<32x256xf32, #tpu.memory_space<hbm>>)
    %dma_wait3A_245 = arith.constant 64 : i32
    %dma_wait3A_246 = arith.constant 0 : i32
    %dma_wait3A_247 = tpu.memref_slice %arg6[%dma_wait3A_245, %dma_wait3A_246] : memref<256x256xf32, #tpu.memory_space<vmem>> -> memref<32x256xf32, #tpu.memory_space<vmem>>
    %dma_wait3A_248 = arith.constant 0 : i32
    %dma_wait3A_249 = tpu.memref_slice %arg4[%add3A_114, %dma_wait3A_248] : memref<8192x256xf32, #tpu.memory_space<hbm>> -> memref<32x256xf32, #tpu.memory_space<hbm>>
    %dma_wait3A_250 = arith.constant 0 : i32
    %dma_wait3A_251 = tpu.memref_slice %arg4[%add3A_114, %dma_wait3A_250] : memref<8192x256xf32, #tpu.memory_space<hbm>> -> memref<32x256xf32, #tpu.memory_space<hbm>>
    %dma_wait3A_252 = arith.constant 64 : i32
    %dma_wait3A_253 = arith.constant 0 : i32
    %dma_wait3A_254 = tpu.memref_slice %arg6[%dma_wait3A_252, %dma_wait3A_253] : memref<256x256xf32, #tpu.memory_space<vmem>> -> memref<32x256xf32, #tpu.memory_space<vmem>>
    tpu.wait_dma2 semaphore(%arg8 : memref<!tpu.dma_semaphore, #tpu.memory_space<semaphore_mem>>) src(%dma_wait3A_254 : memref<32x256xf32, #tpu.memory_space<vmem>>) dst(%dma_wait3A_251 : memref<32x256xf32, #tpu.memory_space<hbm>>)
    %dma_wait3A_255 = arith.constant 96 : i32
    %dma_wait3A_256 = arith.constant 0 : i32
    %dma_wait3A_257 = tpu.memref_slice %arg6[%dma_wait3A_255, %dma_wait3A_256] : memref<256x256xf32, #tpu.memory_space<vmem>> -> memref<32x256xf32, #tpu.memory_space<vmem>>
    %dma_wait3A_258 = arith.constant 0 : i32
    %dma_wait3A_259 = tpu.memref_slice %arg4[%add3A_134, %dma_wait3A_258] : memref<8192x256xf32, #tpu.memory_space<hbm>> -> memref<32x256xf32, #tpu.memory_space<hbm>>
    %dma_wait3A_260 = arith.constant 0 : i32
    %dma_wait3A_261 = tpu.memref_slice %arg4[%add3A_134, %dma_wait3A_260] : memref<8192x256xf32, #tpu.memory_space<hbm>> -> memref<32x256xf32, #tpu.memory_space<hbm>>
    %dma_wait3A_262 = arith.constant 96 : i32
    %dma_wait3A_263 = arith.constant 0 : i32
    %dma_wait3A_264 = tpu.memref_slice %arg6[%dma_wait3A_262, %dma_wait3A_263] : memref<256x256xf32, #tpu.memory_space<vmem>> -> memref<32x256xf32, #tpu.memory_space<vmem>>
    tpu.wait_dma2 semaphore(%arg8 : memref<!tpu.dma_semaphore, #tpu.memory_space<semaphore_mem>>) src(%dma_wait3A_264 : memref<32x256xf32, #tpu.memory_space<vmem>>) dst(%dma_wait3A_261 : memref<32x256xf32, #tpu.memory_space<hbm>>)
    %dma_wait3A_265 = arith.constant 128 : i32
    %dma_wait3A_266 = arith.constant 0 : i32
    %dma_wait3A_267 = tpu.memref_slice %arg6[%dma_wait3A_265, %dma_wait3A_266] : memref<256x256xf32, #tpu.memory_space<vmem>> -> memref<32x256xf32, #tpu.memory_space<vmem>>
    %dma_wait3A_268 = arith.constant 0 : i32
    %dma_wait3A_269 = tpu.memref_slice %arg4[%add3A_154, %dma_wait3A_268] : memref<8192x256xf32, #tpu.memory_space<hbm>> -> memref<32x256xf32, #tpu.memory_space<hbm>>
    %dma_wait3A_270 = arith.constant 0 : i32
    %dma_wait3A_271 = tpu.memref_slice %arg4[%add3A_154, %dma_wait3A_270] : memref<8192x256xf32, #tpu.memory_space<hbm>> -> memref<32x256xf32, #tpu.memory_space<hbm>>
    %dma_wait3A_272 = arith.constant 128 : i32
    %dma_wait3A_273 = arith.constant 0 : i32
    %dma_wait3A_274 = tpu.memref_slice %arg6[%dma_wait3A_272, %dma_wait3A_273] : memref<256x256xf32, #tpu.memory_space<vmem>> -> memref<32x256xf32, #tpu.memory_space<vmem>>
    tpu.wait_dma2 semaphore(%arg8 : memref<!tpu.dma_semaphore, #tpu.memory_space<semaphore_mem>>) src(%dma_wait3A_274 : memref<32x256xf32, #tpu.memory_space<vmem>>) dst(%dma_wait3A_271 : memref<32x256xf32, #tpu.memory_space<hbm>>)
    %dma_wait3A_275 = arith.constant 160 : i32
    %dma_wait3A_276 = arith.constant 0 : i32
    %dma_wait3A_277 = tpu.memref_slice %arg6[%dma_wait3A_275, %dma_wait3A_276] : memref<256x256xf32, #tpu.memory_space<vmem>> -> memref<32x256xf32, #tpu.memory_space<vmem>>
    %dma_wait3A_278 = arith.constant 0 : i32
    %dma_wait3A_279 = tpu.memref_slice %arg4[%add3A_174, %dma_wait3A_278] : memref<8192x256xf32, #tpu.memory_space<hbm>> -> memref<32x256xf32, #tpu.memory_space<hbm>>
    %dma_wait3A_280 = arith.constant 0 : i32
    %dma_wait3A_281 = tpu.memref_slice %arg4[%add3A_174, %dma_wait3A_280] : memref<8192x256xf32, #tpu.memory_space<hbm>> -> memref<32x256xf32, #tpu.memory_space<hbm>>
    %dma_wait3A_282 = arith.constant 160 : i32
    %dma_wait3A_283 = arith.constant 0 : i32
    %dma_wait3A_284 = tpu.memref_slice %arg6[%dma_wait3A_282, %dma_wait3A_283] : memref<256x256xf32, #tpu.memory_space<vmem>> -> memref<32x256xf32, #tpu.memory_space<vmem>>
    tpu.wait_dma2 semaphore(%arg8 : memref<!tpu.dma_semaphore, #tpu.memory_space<semaphore_mem>>) src(%dma_wait3A_284 : memref<32x256xf32, #tpu.memory_space<vmem>>) dst(%dma_wait3A_281 : memref<32x256xf32, #tpu.memory_space<hbm>>)
    %dma_wait3A_285 = arith.constant 192 : i32
    %dma_wait3A_286 = arith.constant 0 : i32
    %dma_wait3A_287 = tpu.memref_slice %arg6[%dma_wait3A_285, %dma_wait3A_286] : memref<256x256xf32, #tpu.memory_space<vmem>> -> memref<32x256xf32, #tpu.memory_space<vmem>>
    %dma_wait3A_288 = arith.constant 0 : i32
    %dma_wait3A_289 = tpu.memref_slice %arg4[%add3A_194, %dma_wait3A_288] : memref<8192x256xf32, #tpu.memory_space<hbm>> -> memref<32x256xf32, #tpu.memory_space<hbm>>
    %dma_wait3A_290 = arith.constant 0 : i32
    %dma_wait3A_291 = tpu.memref_slice %arg4[%add3A_194, %dma_wait3A_290] : memref<8192x256xf32, #tpu.memory_space<hbm>> -> memref<32x256xf32, #tpu.memory_space<hbm>>
    %dma_wait3A_292 = arith.constant 192 : i32
    %dma_wait3A_293 = arith.constant 0 : i32
    %dma_wait3A_294 = tpu.memref_slice %arg6[%dma_wait3A_292, %dma_wait3A_293] : memref<256x256xf32, #tpu.memory_space<vmem>> -> memref<32x256xf32, #tpu.memory_space<vmem>>
    tpu.wait_dma2 semaphore(%arg8 : memref<!tpu.dma_semaphore, #tpu.memory_space<semaphore_mem>>) src(%dma_wait3A_294 : memref<32x256xf32, #tpu.memory_space<vmem>>) dst(%dma_wait3A_291 : memref<32x256xf32, #tpu.memory_space<hbm>>)
    %dma_wait3A_295 = arith.constant 224 : i32
    %dma_wait3A_296 = arith.constant 0 : i32
    %dma_wait3A_297 = tpu.memref_slice %arg6[%dma_wait3A_295, %dma_wait3A_296] : memref<256x256xf32, #tpu.memory_space<vmem>> -> memref<32x256xf32, #tpu.memory_space<vmem>>
    %dma_wait3A_298 = arith.constant 0 : i32
    %dma_wait3A_299 = tpu.memref_slice %arg4[%add3A_214, %dma_wait3A_298] : memref<8192x256xf32, #tpu.memory_space<hbm>> -> memref<32x256xf32, #tpu.memory_space<hbm>>
    %dma_wait3A_300 = arith.constant 0 : i32
    %dma_wait3A_301 = tpu.memref_slice %arg4[%add3A_214, %dma_wait3A_300] : memref<8192x256xf32, #tpu.memory_space<hbm>> -> memref<32x256xf32, #tpu.memory_space<hbm>>
    %dma_wait3A_302 = arith.constant 224 : i32
    %dma_wait3A_303 = arith.constant 0 : i32
    %dma_wait3A_304 = tpu.memref_slice %arg6[%dma_wait3A_302, %dma_wait3A_303] : memref<256x256xf32, #tpu.memory_space<vmem>> -> memref<32x256xf32, #tpu.memory_space<vmem>>
    tpu.wait_dma2 semaphore(%arg8 : memref<!tpu.dma_semaphore, #tpu.memory_space<semaphore_mem>>) src(%dma_wait3A_304 : memref<32x256xf32, #tpu.memory_space<vmem>>) dst(%dma_wait3A_301 : memref<32x256xf32, #tpu.memory_space<hbm>>)
    return
  }
}

module attributes {stable_mosaic.version = 14 : i64} {
  func.func @_enc_body(%arg0: i32, %arg1: memref<1024x768xf32, #tpu.memory_space<vmem>>, %arg2: memref<768x2048xbf16, #tpu.memory_space<vmem>>, %arg3: memref<1x2048xf32, #tpu.memory_space<vmem>>, %arg4: memref<1x2048xf32, #tpu.memory_space<vmem>>, %arg5: memref<1x2048xf32, #tpu.memory_space<vmem>>, %arg6: memref<2048x1024xbf16, #tpu.memory_space<vmem>>, %arg7: memref<1x1024xf32, #tpu.memory_space<vmem>>, %arg8: memref<1x1024xf32, #tpu.memory_space<vmem>>, %arg9: memref<1x1024xf32, #tpu.memory_space<vmem>>, %arg10: memref<1024x256xbf16, #tpu.memory_space<vmem>>, %arg11: memref<1x256xf32, #tpu.memory_space<vmem>>, %arg12: memref<256x8192xbf16, #tpu.memory_space<vmem>>, %arg13: memref<1x8192xf32, #tpu.memory_space<vmem>>, %arg14: memref<1024x256xf32, #tpu.memory_space<vmem>>, %arg15: memref<1024x1xi32, #tpu.memory_space<vmem>>) attributes {dimension_semantics = [#tpu.dimension_semantics<arbitrary>], iteration_bounds = array<i64: 8>, scalar_prefetch = 0 : i64, scratch_operands = 0 : i64, tpu.core_type = #tpu.core_type<tc>, window_params = [{transform_indices = @transform_0, window_bounds = array<i64: 1024, 768>}, {pipeline_mode = #tpu.pipeline_mode<synchronous>, transform_indices = @transform_1, window_bounds = array<i64: 768, 2048>}, {pipeline_mode = #tpu.pipeline_mode<synchronous>, transform_indices = @transform_2, window_bounds = array<i64: 1, 2048>}, {pipeline_mode = #tpu.pipeline_mode<synchronous>, transform_indices = @transform_3, window_bounds = array<i64: 1, 2048>}, {pipeline_mode = #tpu.pipeline_mode<synchronous>, transform_indices = @transform_4, window_bounds = array<i64: 1, 2048>}, {pipeline_mode = #tpu.pipeline_mode<synchronous>, transform_indices = @transform_5, window_bounds = array<i64: 2048, 1024>}, {pipeline_mode = #tpu.pipeline_mode<synchronous>, transform_indices = @transform_6, window_bounds = array<i64: 1, 1024>}, {pipeline_mode = #tpu.pipeline_mode<synchronous>, transform_indices = @transform_7, window_bounds = array<i64: 1, 1024>}, {pipeline_mode = #tpu.pipeline_mode<synchronous>, transform_indices = @transform_8, window_bounds = array<i64: 1, 1024>}, {pipeline_mode = #tpu.pipeline_mode<synchronous>, transform_indices = @transform_9, window_bounds = array<i64: 1024, 256>}, {pipeline_mode = #tpu.pipeline_mode<synchronous>, transform_indices = @transform_10, window_bounds = array<i64: 1, 256>}, {pipeline_mode = #tpu.pipeline_mode<synchronous>, transform_indices = @transform_11, window_bounds = array<i64: 256, 8192>}, {pipeline_mode = #tpu.pipeline_mode<synchronous>, transform_indices = @transform_12, window_bounds = array<i64: 1, 8192>}, {transform_indices = @transform_13, window_bounds = array<i64: 1024, 256>}, {transform_indices = @transform_14, window_bounds = array<i64: 1024, 1>}]} {
    %get3A = arith.constant 0 : index
    %get3A_0 = arith.constant 0 : index
    %get3A_1 = vector.load %arg1[%get3A, %get3A_0] : memref<1024x768xf32, #tpu.memory_space<vmem>>, vector<1024x768xf32>
    %convert_element_type3A = arith.truncf %get3A_1 : vector<1024x768xf32> to vector<1024x768xbf16>
    %get3A_2 = arith.constant 0 : index
    %get3A_3 = arith.constant 0 : index
    %get3A_4 = vector.load %arg2[%get3A_2, %get3A_3] : memref<768x2048xbf16, #tpu.memory_space<vmem>>, vector<768x2048xbf16>
    %dot_general3A = arith.constant dense<0.000000e+00> : vector<1024x2048xf32>
    %dot_general3A_5 = tpu.matmul %convert_element_type3A, %get3A_4, %dot_general3A {dimension_numbers = #tpu.dot_dimension_numbers<[1], [0], [0], [1], [0, 0, 1, 1], [], []>, transpose_lhs_hint = false} : vector<1024x768xbf16>, vector<768x2048xbf16>, vector<1024x2048xf32> -> vector<1024x2048xf32>
    %get3A_6 = arith.constant 0 : index
    %get3A_7 = arith.constant 0 : index
    %get3A_8 = vector.load %arg3[%get3A_6, %get3A_7] : memref<1x2048xf32, #tpu.memory_space<vmem>>, vector<1x2048xf32>
    %add3A = vector.broadcast %get3A_8 : vector<1x2048xf32> to vector<1024x2048xf32>
    %add3A_9 = arith.addf %dot_general3A_5, %add3A : vector<1024x2048xf32>
    %get3A_10 = arith.constant 0 : index
    %get3A_11 = arith.constant 0 : index
    %get3A_12 = vector.load %arg4[%get3A_10, %get3A_11] : memref<1x2048xf32, #tpu.memory_space<vmem>>, vector<1x2048xf32>
    %get3A_13 = arith.constant 0 : index
    %get3A_14 = arith.constant 0 : index
    %get3A_15 = vector.load %arg5[%get3A_13, %get3A_14] : memref<1x2048xf32, #tpu.memory_space<vmem>>, vector<1x2048xf32>
    %reduce_sum3A = arith.constant dense<0.000000e+00> : vector<1024xf32>
    %reduce_sum3A_16 = vector.multi_reduction <add>, %add3A_9, %reduce_sum3A [1] : vector<1024x2048xf32> to vector<1024xf32>
    %broadcast_in_dim3A = vector.shape_cast %reduce_sum3A_16 : vector<1024xf32> to vector<1024x1xf32>
    %div3A = arith.constant 2.048000e+03 : f32
    %div3A_17 = vector.broadcast %div3A : f32 to vector<1024x1xf32>
    %div3A_18 = arith.divf %broadcast_in_dim3A, %div3A_17 : vector<1024x1xf32>
    %sub3A = vector.broadcast %div3A_18 : vector<1024x1xf32> to vector<1024x2048xf32>
    %sub3A_19 = arith.subf %add3A_9, %sub3A : vector<1024x2048xf32>
    %integer_pow3A = arith.mulf %sub3A_19, %sub3A_19 : vector<1024x2048xf32>
    %reduce_sum3A_20 = arith.constant dense<0.000000e+00> : vector<1024xf32>
    %reduce_sum3A_21 = vector.multi_reduction <add>, %integer_pow3A, %reduce_sum3A_20 [1] : vector<1024x2048xf32> to vector<1024xf32>
    %broadcast_in_dim3A_22 = vector.shape_cast %reduce_sum3A_21 : vector<1024xf32> to vector<1024x1xf32>
    %div3A_23 = arith.constant 2.048000e+03 : f32
    %div3A_24 = vector.broadcast %div3A_23 : f32 to vector<1024x1xf32>
    %div3A_25 = arith.divf %broadcast_in_dim3A_22, %div3A_24 : vector<1024x1xf32>
    %sub3A_26 = vector.broadcast %div3A_18 : vector<1024x1xf32> to vector<1024x2048xf32>
    %sub3A_27 = arith.subf %add3A_9, %sub3A_26 : vector<1024x2048xf32>
    %add3A_28 = arith.constant 9.99999974E-6 : f32
    %add3A_29 = vector.broadcast %add3A_28 : f32 to vector<1024x1xf32>
    %add3A_30 = arith.addf %div3A_25, %add3A_29 : vector<1024x1xf32>
    %sqrt3A = math.sqrt %add3A_30 : vector<1024x1xf32>
    %div3A_31 = vector.broadcast %sqrt3A : vector<1024x1xf32> to vector<1024x2048xf32>
    %div3A_32 = arith.divf %sub3A_27, %div3A_31 : vector<1024x2048xf32>
    %mul3A = vector.broadcast %get3A_12 : vector<1x2048xf32> to vector<1024x2048xf32>
    %mul3A_33 = arith.mulf %div3A_32, %mul3A : vector<1024x2048xf32>
    %add3A_34 = vector.broadcast %get3A_15 : vector<1x2048xf32> to vector<1024x2048xf32>
    %add3A_35 = arith.addf %mul3A_33, %add3A_34 : vector<1024x2048xf32>
    %gt3A = arith.constant 0.000000e+00 : f32
    %gt3A_36 = vector.broadcast %gt3A : f32 to vector<1024x2048xf32>
    %gt3A_37 = arith.cmpf ogt, %add3A_35, %gt3A_36 : vector<1024x2048xf32>
    %exp3A = math.exp %add3A_35 : vector<1024x2048xf32>
    %sub3A_38 = arith.constant 1.000000e+00 : f32
    %sub3A_39 = vector.broadcast %sub3A_38 : f32 to vector<1024x2048xf32>
    %sub3A_40 = arith.subf %exp3A, %sub3A_39 : vector<1024x2048xf32>
    %select_n3A = arith.select %gt3A_37, %add3A_35, %sub3A_40 : vector<1024x2048xi1>, vector<1024x2048xf32>
    %convert_element_type3A_41 = arith.truncf %select_n3A : vector<1024x2048xf32> to vector<1024x2048xbf16>
    %get3A_42 = arith.constant 0 : index
    %get3A_43 = arith.constant 0 : index
    %get3A_44 = vector.load %arg6[%get3A_42, %get3A_43] : memref<2048x1024xbf16, #tpu.memory_space<vmem>>, vector<2048x1024xbf16>
    %dot_general3A_45 = arith.constant dense<0.000000e+00> : vector<1024x1024xf32>
    %dot_general3A_46 = tpu.matmul %convert_element_type3A_41, %get3A_44, %dot_general3A_45 {dimension_numbers = #tpu.dot_dimension_numbers<[1], [0], [0], [1], [0, 0, 1, 1], [], []>, transpose_lhs_hint = false} : vector<1024x2048xbf16>, vector<2048x1024xbf16>, vector<1024x1024xf32> -> vector<1024x1024xf32>
    %get3A_47 = arith.constant 0 : index
    %get3A_48 = arith.constant 0 : index
    %get3A_49 = vector.load %arg7[%get3A_47, %get3A_48] : memref<1x1024xf32, #tpu.memory_space<vmem>>, vector<1x1024xf32>
    %add3A_50 = vector.broadcast %get3A_49 : vector<1x1024xf32> to vector<1024x1024xf32>
    %add3A_51 = arith.addf %dot_general3A_46, %add3A_50 : vector<1024x1024xf32>
    %get3A_52 = arith.constant 0 : index
    %get3A_53 = arith.constant 0 : index
    %get3A_54 = vector.load %arg8[%get3A_52, %get3A_53] : memref<1x1024xf32, #tpu.memory_space<vmem>>, vector<1x1024xf32>
    %get3A_55 = arith.constant 0 : index
    %get3A_56 = arith.constant 0 : index
    %get3A_57 = vector.load %arg9[%get3A_55, %get3A_56] : memref<1x1024xf32, #tpu.memory_space<vmem>>, vector<1x1024xf32>
    %reduce_sum3A_58 = arith.constant dense<0.000000e+00> : vector<1024xf32>
    %reduce_sum3A_59 = vector.multi_reduction <add>, %add3A_51, %reduce_sum3A_58 [1] : vector<1024x1024xf32> to vector<1024xf32>
    %broadcast_in_dim3A_60 = vector.shape_cast %reduce_sum3A_59 : vector<1024xf32> to vector<1024x1xf32>
    %div3A_61 = arith.constant 1.024000e+03 : f32
    %div3A_62 = vector.broadcast %div3A_61 : f32 to vector<1024x1xf32>
    %div3A_63 = arith.divf %broadcast_in_dim3A_60, %div3A_62 : vector<1024x1xf32>
    %sub3A_64 = vector.broadcast %div3A_63 : vector<1024x1xf32> to vector<1024x1024xf32>
    %sub3A_65 = arith.subf %add3A_51, %sub3A_64 : vector<1024x1024xf32>
    %integer_pow3A_66 = arith.mulf %sub3A_65, %sub3A_65 : vector<1024x1024xf32>
    %reduce_sum3A_67 = arith.constant dense<0.000000e+00> : vector<1024xf32>
    %reduce_sum3A_68 = vector.multi_reduction <add>, %integer_pow3A_66, %reduce_sum3A_67 [1] : vector<1024x1024xf32> to vector<1024xf32>
    %broadcast_in_dim3A_69 = vector.shape_cast %reduce_sum3A_68 : vector<1024xf32> to vector<1024x1xf32>
    %div3A_70 = arith.constant 1.024000e+03 : f32
    %div3A_71 = vector.broadcast %div3A_70 : f32 to vector<1024x1xf32>
    %div3A_72 = arith.divf %broadcast_in_dim3A_69, %div3A_71 : vector<1024x1xf32>
    %sub3A_73 = vector.broadcast %div3A_63 : vector<1024x1xf32> to vector<1024x1024xf32>
    %sub3A_74 = arith.subf %add3A_51, %sub3A_73 : vector<1024x1024xf32>
    %add3A_75 = arith.constant 9.99999974E-6 : f32
    %add3A_76 = vector.broadcast %add3A_75 : f32 to vector<1024x1xf32>
    %add3A_77 = arith.addf %div3A_72, %add3A_76 : vector<1024x1xf32>
    %sqrt3A_78 = math.sqrt %add3A_77 : vector<1024x1xf32>
    %div3A_79 = vector.broadcast %sqrt3A_78 : vector<1024x1xf32> to vector<1024x1024xf32>
    %div3A_80 = arith.divf %sub3A_74, %div3A_79 : vector<1024x1024xf32>
    %mul3A_81 = vector.broadcast %get3A_54 : vector<1x1024xf32> to vector<1024x1024xf32>
    %mul3A_82 = arith.mulf %div3A_80, %mul3A_81 : vector<1024x1024xf32>
    %add3A_83 = vector.broadcast %get3A_57 : vector<1x1024xf32> to vector<1024x1024xf32>
    %add3A_84 = arith.addf %mul3A_82, %add3A_83 : vector<1024x1024xf32>
    %gt3A_85 = arith.constant 0.000000e+00 : f32
    %gt3A_86 = vector.broadcast %gt3A_85 : f32 to vector<1024x1024xf32>
    %gt3A_87 = arith.cmpf ogt, %add3A_84, %gt3A_86 : vector<1024x1024xf32>
    %exp3A_88 = math.exp %add3A_84 : vector<1024x1024xf32>
    %sub3A_89 = arith.constant 1.000000e+00 : f32
    %sub3A_90 = vector.broadcast %sub3A_89 : f32 to vector<1024x1024xf32>
    %sub3A_91 = arith.subf %exp3A_88, %sub3A_90 : vector<1024x1024xf32>
    %select_n3A_92 = arith.select %gt3A_87, %add3A_84, %sub3A_91 : vector<1024x1024xi1>, vector<1024x1024xf32>
    %convert_element_type3A_93 = arith.truncf %select_n3A_92 : vector<1024x1024xf32> to vector<1024x1024xbf16>
    %get3A_94 = arith.constant 0 : index
    %get3A_95 = arith.constant 0 : index
    %get3A_96 = vector.load %arg10[%get3A_94, %get3A_95] : memref<1024x256xbf16, #tpu.memory_space<vmem>>, vector<1024x256xbf16>
    %dot_general3A_97 = arith.constant dense<0.000000e+00> : vector<1024x256xf32>
    %dot_general3A_98 = tpu.matmul %convert_element_type3A_93, %get3A_96, %dot_general3A_97 {dimension_numbers = #tpu.dot_dimension_numbers<[1], [0], [0], [1], [0, 0, 1, 1], [], []>, transpose_lhs_hint = false} : vector<1024x1024xbf16>, vector<1024x256xbf16>, vector<1024x256xf32> -> vector<1024x256xf32>
    %get3A_99 = arith.constant 0 : index
    %get3A_100 = arith.constant 0 : index
    %get3A_101 = vector.load %arg11[%get3A_99, %get3A_100] : memref<1x256xf32, #tpu.memory_space<vmem>>, vector<1x256xf32>
    %add3A_102 = vector.broadcast %get3A_101 : vector<1x256xf32> to vector<1024x256xf32>
    %add3A_103 = arith.addf %dot_general3A_98, %add3A_102 : vector<1024x256xf32>
    %swap3A = arith.constant 0 : index
    %swap3A_104 = arith.constant 0 : index
    %swap3A_105 = vector.load %arg14[%swap3A, %swap3A_104] : memref<1024x256xf32, #tpu.memory_space<vmem>>, vector<1024x256xf32>
    tpu.vector_store %arg14[%swap3A, %swap3A_104], %add3A_103 {strides = array<i32>} : memref<1024x256xf32, #tpu.memory_space<vmem>>, vector<1024x256xf32>,
    %mul3A_106 = arith.constant -2.000000e+00 : f32
    %mul3A_107 = vector.broadcast %mul3A_106 : f32 to vector<1024x256xf32>
    %mul3A_108 = arith.mulf %add3A_103, %mul3A_107 : vector<1024x256xf32>
    %convert_element_type3A_109 = arith.truncf %mul3A_108 : vector<1024x256xf32> to vector<1024x256xbf16>
    %mul3A_110 = arith.mulf %add3A_103, %add3A_103 : vector<1024x256xf32>
    %reduce_sum3A_111 = arith.constant dense<0.000000e+00> : vector<1024xf32>
    %reduce_sum3A_112 = vector.multi_reduction <add>, %mul3A_110, %reduce_sum3A_111 [1] : vector<1024x256xf32> to vector<1024xf32>
    %broadcast_in_dim3A_113 = vector.shape_cast %reduce_sum3A_112 : vector<1024xf32> to vector<1024x1xf32>
    %broadcast_in_dim3A_114 = arith.constant 0x7F800000 : f32
    %broadcast_in_dim3A_115 = vector.broadcast %broadcast_in_dim3A_114 : f32 to vector<1024x128xf32>
    %broadcast_in_dim3A_116 = arith.constant 0 : i32
    %broadcast_in_dim3A_117 = vector.broadcast %broadcast_in_dim3A_116 : i32 to vector<1024x128xi32>
    %get3A_118 = arith.constant 0 : index
    %get3A_119 = arith.constant 0 : index
    %get3A_120 = vector.load %arg12[%get3A_118, %get3A_119] : memref<256x8192xbf16, #tpu.memory_space<vmem>>, vector<256x1024xbf16>
    %dot_general3A_121 = arith.constant dense<0.000000e+00> : vector<1024x1024xf32>
    %dot_general3A_122 = tpu.matmul %convert_element_type3A_109, %get3A_120, %dot_general3A_121 {dimension_numbers = #tpu.dot_dimension_numbers<[1], [0], [0], [1], [0, 0, 1, 1], [], []>, transpose_lhs_hint = false} : vector<1024x256xbf16>, vector<256x1024xbf16>, vector<1024x1024xf32> -> vector<1024x1024xf32>
    %add3A_123 = vector.broadcast %broadcast_in_dim3A_113 : vector<1024x1xf32> to vector<1024x1024xf32>
    %add3A_124 = arith.addf %add3A_123, %dot_general3A_122 : vector<1024x1024xf32>
    %get3A_125 = arith.constant 0 : index
    %get3A_126 = arith.constant 0 : index
    %get3A_127 = vector.load %arg13[%get3A_125, %get3A_126] : memref<1x8192xf32, #tpu.memory_space<vmem>>, vector<1x1024xf32>
    %add3A_128 = vector.broadcast %get3A_127 : vector<1x1024xf32> to vector<1024x1024xf32>
    %add3A_129 = arith.addf %add3A_124, %add3A_128 : vector<1024x1024xf32>
    %slice3A = vector.extract_strided_slice %add3A_129 {offsets = [0, 0], sizes = [1024, 128], strides = [1, 1]} : vector<1024x1024xf32> to vector<1024x128xf32>
    %lt3A = arith.cmpf olt, %slice3A, %broadcast_in_dim3A_115 : vector<1024x128xf32>
    %select_n3A_130 = arith.select %lt3A, %slice3A, %broadcast_in_dim3A_115 : vector<1024x128xi1>, vector<1024x128xf32>
    %jit3A = arith.constant 0 : i32
    %broadcast_in_dim3A_131 = vector.broadcast %jit3A : i32 to vector<1024x128xi32>
    %select_n3A_132 = arith.select %lt3A, %broadcast_in_dim3A_131, %broadcast_in_dim3A_117 : vector<1024x128xi1>, vector<1024x128xi32>
    %slice3A_133 = vector.extract_strided_slice %add3A_129 {offsets = [0, 128], sizes = [1024, 128], strides = [1, 1]} : vector<1024x1024xf32> to vector<1024x128xf32>
    %lt3A_134 = arith.cmpf olt, %slice3A_133, %select_n3A_130 : vector<1024x128xf32>
    %select_n3A_135 = arith.select %lt3A_134, %slice3A_133, %select_n3A_130 : vector<1024x128xi1>, vector<1024x128xf32>
    %jit3A_136 = arith.constant 1 : i32
    %broadcast_in_dim3A_137 = vector.broadcast %jit3A_136 : i32 to vector<1024x128xi32>
    %select_n3A_138 = arith.select %lt3A_134, %broadcast_in_dim3A_137, %select_n3A_132 : vector<1024x128xi1>, vector<1024x128xi32>
    %slice3A_139 = vector.extract_strided_slice %add3A_129 {offsets = [0, 256], sizes = [1024, 128], strides = [1, 1]} : vector<1024x1024xf32> to vector<1024x128xf32>
    %lt3A_140 = arith.cmpf olt, %slice3A_139, %select_n3A_135 : vector<1024x128xf32>
    %select_n3A_141 = arith.select %lt3A_140, %slice3A_139, %select_n3A_135 : vector<1024x128xi1>, vector<1024x128xf32>
    %jit3A_142 = arith.constant 2 : i32
    %broadcast_in_dim3A_143 = vector.broadcast %jit3A_142 : i32 to vector<1024x128xi32>
    %select_n3A_144 = arith.select %lt3A_140, %broadcast_in_dim3A_143, %select_n3A_138 : vector<1024x128xi1>, vector<1024x128xi32>
    %slice3A_145 = vector.extract_strided_slice %add3A_129 {offsets = [0, 384], sizes = [1024, 128], strides = [1, 1]} : vector<1024x1024xf32> to vector<1024x128xf32>
    %lt3A_146 = arith.cmpf olt, %slice3A_145, %select_n3A_141 : vector<1024x128xf32>
    %select_n3A_147 = arith.select %lt3A_146, %slice3A_145, %select_n3A_141 : vector<1024x128xi1>, vector<1024x128xf32>
    %jit3A_148 = arith.constant 3 : i32
    %broadcast_in_dim3A_149 = vector.broadcast %jit3A_148 : i32 to vector<1024x128xi32>
    %select_n3A_150 = arith.select %lt3A_146, %broadcast_in_dim3A_149, %select_n3A_144 : vector<1024x128xi1>, vector<1024x128xi32>
    %slice3A_151 = vector.extract_strided_slice %add3A_129 {offsets = [0, 512], sizes = [1024, 128], strides = [1, 1]} : vector<1024x1024xf32> to vector<1024x128xf32>
    %lt3A_152 = arith.cmpf olt, %slice3A_151, %select_n3A_147 : vector<1024x128xf32>
    %select_n3A_153 = arith.select %lt3A_152, %slice3A_151, %select_n3A_147 : vector<1024x128xi1>, vector<1024x128xf32>
    %jit3A_154 = arith.constant 4 : i32
    %broadcast_in_dim3A_155 = vector.broadcast %jit3A_154 : i32 to vector<1024x128xi32>
    %select_n3A_156 = arith.select %lt3A_152, %broadcast_in_dim3A_155, %select_n3A_150 : vector<1024x128xi1>, vector<1024x128xi32>
    %slice3A_157 = vector.extract_strided_slice %add3A_129 {offsets = [0, 640], sizes = [1024, 128], strides = [1, 1]} : vector<1024x1024xf32> to vector<1024x128xf32>
    %lt3A_158 = arith.cmpf olt, %slice3A_157, %select_n3A_153 : vector<1024x128xf32>
    %select_n3A_159 = arith.select %lt3A_158, %slice3A_157, %select_n3A_153 : vector<1024x128xi1>, vector<1024x128xf32>
    %jit3A_160 = arith.constant 5 : i32
    %broadcast_in_dim3A_161 = vector.broadcast %jit3A_160 : i32 to vector<1024x128xi32>
    %select_n3A_162 = arith.select %lt3A_158, %broadcast_in_dim3A_161, %select_n3A_156 : vector<1024x128xi1>, vector<1024x128xi32>
    %slice3A_163 = vector.extract_strided_slice %add3A_129 {offsets = [0, 768], sizes = [1024, 128], strides = [1, 1]} : vector<1024x1024xf32> to vector<1024x128xf32>
    %lt3A_164 = arith.cmpf olt, %slice3A_163, %select_n3A_159 : vector<1024x128xf32>
    %select_n3A_165 = arith.select %lt3A_164, %slice3A_163, %select_n3A_159 : vector<1024x128xi1>, vector<1024x128xf32>
    %jit3A_166 = arith.constant 6 : i32
    %broadcast_in_dim3A_167 = vector.broadcast %jit3A_166 : i32 to vector<1024x128xi32>
    %select_n3A_168 = arith.select %lt3A_164, %broadcast_in_dim3A_167, %select_n3A_162 : vector<1024x128xi1>, vector<1024x128xi32>
    %slice3A_169 = vector.extract_strided_slice %add3A_129 {offsets = [0, 896], sizes = [1024, 128], strides = [1, 1]} : vector<1024x1024xf32> to vector<1024x128xf32>
    %lt3A_170 = arith.cmpf olt, %slice3A_169, %select_n3A_165 : vector<1024x128xf32>
    %select_n3A_171 = arith.select %lt3A_170, %slice3A_169, %select_n3A_165 : vector<1024x128xi1>, vector<1024x128xf32>
    %jit3A_172 = arith.constant 7 : i32
    %broadcast_in_dim3A_173 = vector.broadcast %jit3A_172 : i32 to vector<1024x128xi32>
    %select_n3A_174 = arith.select %lt3A_170, %broadcast_in_dim3A_173, %select_n3A_168 : vector<1024x128xi1>, vector<1024x128xi32>
    %get3A_175 = arith.constant 0 : index
    %get3A_176 = arith.constant 1024 : index
    %get3A_177 = vector.load %arg12[%get3A_175, %get3A_176] : memref<256x8192xbf16, #tpu.memory_space<vmem>>, vector<256x1024xbf16>
    %dot_general3A_178 = arith.constant dense<0.000000e+00> : vector<1024x1024xf32>
    %dot_general3A_179 = tpu.matmul %convert_element_type3A_109, %get3A_177, %dot_general3A_178 {dimension_numbers = #tpu.dot_dimension_numbers<[1], [0], [0], [1], [0, 0, 1, 1], [], []>, transpose_lhs_hint = false} : vector<1024x256xbf16>, vector<256x1024xbf16>, vector<1024x1024xf32> -> vector<1024x1024xf32>
    %add3A_180 = vector.broadcast %broadcast_in_dim3A_113 : vector<1024x1xf32> to vector<1024x1024xf32>
    %add3A_181 = arith.addf %add3A_180, %dot_general3A_179 : vector<1024x1024xf32>
    %get3A_182 = arith.constant 0 : index
    %get3A_183 = arith.constant 1024 : index
    %get3A_184 = vector.load %arg13[%get3A_182, %get3A_183] : memref<1x8192xf32, #tpu.memory_space<vmem>>, vector<1x1024xf32>
    %add3A_185 = vector.broadcast %get3A_184 : vector<1x1024xf32> to vector<1024x1024xf32>
    %add3A_186 = arith.addf %add3A_181, %add3A_185 : vector<1024x1024xf32>
    %slice3A_187 = vector.extract_strided_slice %add3A_186 {offsets = [0, 0], sizes = [1024, 128], strides = [1, 1]} : vector<1024x1024xf32> to vector<1024x128xf32>
    %lt3A_188 = arith.cmpf olt, %slice3A_187, %select_n3A_171 : vector<1024x128xf32>
    %select_n3A_189 = arith.select %lt3A_188, %slice3A_187, %select_n3A_171 : vector<1024x128xi1>, vector<1024x128xf32>
    %jit3A_190 = arith.constant 8 : i32
    %broadcast_in_dim3A_191 = vector.broadcast %jit3A_190 : i32 to vector<1024x128xi32>
    %select_n3A_192 = arith.select %lt3A_188, %broadcast_in_dim3A_191, %select_n3A_174 : vector<1024x128xi1>, vector<1024x128xi32>
    %slice3A_193 = vector.extract_strided_slice %add3A_186 {offsets = [0, 128], sizes = [1024, 128], strides = [1, 1]} : vector<1024x1024xf32> to vector<1024x128xf32>
    %lt3A_194 = arith.cmpf olt, %slice3A_193, %select_n3A_189 : vector<1024x128xf32>
    %select_n3A_195 = arith.select %lt3A_194, %slice3A_193, %select_n3A_189 : vector<1024x128xi1>, vector<1024x128xf32>
    %jit3A_196 = arith.constant 9 : i32
    %broadcast_in_dim3A_197 = vector.broadcast %jit3A_196 : i32 to vector<1024x128xi32>
    %select_n3A_198 = arith.select %lt3A_194, %broadcast_in_dim3A_197, %select_n3A_192 : vector<1024x128xi1>, vector<1024x128xi32>
    %slice3A_199 = vector.extract_strided_slice %add3A_186 {offsets = [0, 256], sizes = [1024, 128], strides = [1, 1]} : vector<1024x1024xf32> to vector<1024x128xf32>
    %lt3A_200 = arith.cmpf olt, %slice3A_199, %select_n3A_195 : vector<1024x128xf32>
    %select_n3A_201 = arith.select %lt3A_200, %slice3A_199, %select_n3A_195 : vector<1024x128xi1>, vector<1024x128xf32>
    %jit3A_202 = arith.constant 10 : i32
    %broadcast_in_dim3A_203 = vector.broadcast %jit3A_202 : i32 to vector<1024x128xi32>
    %select_n3A_204 = arith.select %lt3A_200, %broadcast_in_dim3A_203, %select_n3A_198 : vector<1024x128xi1>, vector<1024x128xi32>
    %slice3A_205 = vector.extract_strided_slice %add3A_186 {offsets = [0, 384], sizes = [1024, 128], strides = [1, 1]} : vector<1024x1024xf32> to vector<1024x128xf32>
    %lt3A_206 = arith.cmpf olt, %slice3A_205, %select_n3A_201 : vector<1024x128xf32>
    %select_n3A_207 = arith.select %lt3A_206, %slice3A_205, %select_n3A_201 : vector<1024x128xi1>, vector<1024x128xf32>
    %jit3A_208 = arith.constant 11 : i32
    %broadcast_in_dim3A_209 = vector.broadcast %jit3A_208 : i32 to vector<1024x128xi32>
    %select_n3A_210 = arith.select %lt3A_206, %broadcast_in_dim3A_209, %select_n3A_204 : vector<1024x128xi1>, vector<1024x128xi32>
    %slice3A_211 = vector.extract_strided_slice %add3A_186 {offsets = [0, 512], sizes = [1024, 128], strides = [1, 1]} : vector<1024x1024xf32> to vector<1024x128xf32>
    %lt3A_212 = arith.cmpf olt, %slice3A_211, %select_n3A_207 : vector<1024x128xf32>
    %select_n3A_213 = arith.select %lt3A_212, %slice3A_211, %select_n3A_207 : vector<1024x128xi1>, vector<1024x128xf32>
    %jit3A_214 = arith.constant 12 : i32
    %broadcast_in_dim3A_215 = vector.broadcast %jit3A_214 : i32 to vector<1024x128xi32>
    %select_n3A_216 = arith.select %lt3A_212, %broadcast_in_dim3A_215, %select_n3A_210 : vector<1024x128xi1>, vector<1024x128xi32>
    %slice3A_217 = vector.extract_strided_slice %add3A_186 {offsets = [0, 640], sizes = [1024, 128], strides = [1, 1]} : vector<1024x1024xf32> to vector<1024x128xf32>
    %lt3A_218 = arith.cmpf olt, %slice3A_217, %select_n3A_213 : vector<1024x128xf32>
    %select_n3A_219 = arith.select %lt3A_218, %slice3A_217, %select_n3A_213 : vector<1024x128xi1>, vector<1024x128xf32>
    %jit3A_220 = arith.constant 13 : i32
    %broadcast_in_dim3A_221 = vector.broadcast %jit3A_220 : i32 to vector<1024x128xi32>
    %select_n3A_222 = arith.select %lt3A_218, %broadcast_in_dim3A_221, %select_n3A_216 : vector<1024x128xi1>, vector<1024x128xi32>
    %slice3A_223 = vector.extract_strided_slice %add3A_186 {offsets = [0, 768], sizes = [1024, 128], strides = [1, 1]} : vector<1024x1024xf32> to vector<1024x128xf32>
    %lt3A_224 = arith.cmpf olt, %slice3A_223, %select_n3A_219 : vector<1024x128xf32>
    %select_n3A_225 = arith.select %lt3A_224, %slice3A_223, %select_n3A_219 : vector<1024x128xi1>, vector<1024x128xf32>
    %jit3A_226 = arith.constant 14 : i32
    %broadcast_in_dim3A_227 = vector.broadcast %jit3A_226 : i32 to vector<1024x128xi32>
    %select_n3A_228 = arith.select %lt3A_224, %broadcast_in_dim3A_227, %select_n3A_222 : vector<1024x128xi1>, vector<1024x128xi32>
    %slice3A_229 = vector.extract_strided_slice %add3A_186 {offsets = [0, 896], sizes = [1024, 128], strides = [1, 1]} : vector<1024x1024xf32> to vector<1024x128xf32>
    %lt3A_230 = arith.cmpf olt, %slice3A_229, %select_n3A_225 : vector<1024x128xf32>
    %select_n3A_231 = arith.select %lt3A_230, %slice3A_229, %select_n3A_225 : vector<1024x128xi1>, vector<1024x128xf32>
    %jit3A_232 = arith.constant 15 : i32
    %broadcast_in_dim3A_233 = vector.broadcast %jit3A_232 : i32 to vector<1024x128xi32>
    %select_n3A_234 = arith.select %lt3A_230, %broadcast_in_dim3A_233, %select_n3A_228 : vector<1024x128xi1>, vector<1024x128xi32>
    %get3A_235 = arith.constant 0 : index
    %get3A_236 = arith.constant 2048 : index
    %get3A_237 = vector.load %arg12[%get3A_235, %get3A_236] : memref<256x8192xbf16, #tpu.memory_space<vmem>>, vector<256x1024xbf16>
    %dot_general3A_238 = arith.constant dense<0.000000e+00> : vector<1024x1024xf32>
    %dot_general3A_239 = tpu.matmul %convert_element_type3A_109, %get3A_237, %dot_general3A_238 {dimension_numbers = #tpu.dot_dimension_numbers<[1], [0], [0], [1], [0, 0, 1, 1], [], []>, transpose_lhs_hint = false} : vector<1024x256xbf16>, vector<256x1024xbf16>, vector<1024x1024xf32> -> vector<1024x1024xf32>
    %add3A_240 = vector.broadcast %broadcast_in_dim3A_113 : vector<1024x1xf32> to vector<1024x1024xf32>
    %add3A_241 = arith.addf %add3A_240, %dot_general3A_239 : vector<1024x1024xf32>
    %get3A_242 = arith.constant 0 : index
    %get3A_243 = arith.constant 2048 : index
    %get3A_244 = vector.load %arg13[%get3A_242, %get3A_243] : memref<1x8192xf32, #tpu.memory_space<vmem>>, vector<1x1024xf32>
    %add3A_245 = vector.broadcast %get3A_244 : vector<1x1024xf32> to vector<1024x1024xf32>
    %add3A_246 = arith.addf %add3A_241, %add3A_245 : vector<1024x1024xf32>
    %slice3A_247 = vector.extract_strided_slice %add3A_246 {offsets = [0, 0], sizes = [1024, 128], strides = [1, 1]} : vector<1024x1024xf32> to vector<1024x128xf32>
    %lt3A_248 = arith.cmpf olt, %slice3A_247, %select_n3A_231 : vector<1024x128xf32>
    %select_n3A_249 = arith.select %lt3A_248, %slice3A_247, %select_n3A_231 : vector<1024x128xi1>, vector<1024x128xf32>
    %jit3A_250 = arith.constant 16 : i32
    %broadcast_in_dim3A_251 = vector.broadcast %jit3A_250 : i32 to vector<1024x128xi32>
    %select_n3A_252 = arith.select %lt3A_248, %broadcast_in_dim3A_251, %select_n3A_234 : vector<1024x128xi1>, vector<1024x128xi32>
    %slice3A_253 = vector.extract_strided_slice %add3A_246 {offsets = [0, 128], sizes = [1024, 128], strides = [1, 1]} : vector<1024x1024xf32> to vector<1024x128xf32>
    %lt3A_254 = arith.cmpf olt, %slice3A_253, %select_n3A_249 : vector<1024x128xf32>
    %select_n3A_255 = arith.select %lt3A_254, %slice3A_253, %select_n3A_249 : vector<1024x128xi1>, vector<1024x128xf32>
    %jit3A_256 = arith.constant 17 : i32
    %broadcast_in_dim3A_257 = vector.broadcast %jit3A_256 : i32 to vector<1024x128xi32>
    %select_n3A_258 = arith.select %lt3A_254, %broadcast_in_dim3A_257, %select_n3A_252 : vector<1024x128xi1>, vector<1024x128xi32>
    %slice3A_259 = vector.extract_strided_slice %add3A_246 {offsets = [0, 256], sizes = [1024, 128], strides = [1, 1]} : vector<1024x1024xf32> to vector<1024x128xf32>
    %lt3A_260 = arith.cmpf olt, %slice3A_259, %select_n3A_255 : vector<1024x128xf32>
    %select_n3A_261 = arith.select %lt3A_260, %slice3A_259, %select_n3A_255 : vector<1024x128xi1>, vector<1024x128xf32>
    %jit3A_262 = arith.constant 18 : i32
    %broadcast_in_dim3A_263 = vector.broadcast %jit3A_262 : i32 to vector<1024x128xi32>
    %select_n3A_264 = arith.select %lt3A_260, %broadcast_in_dim3A_263, %select_n3A_258 : vector<1024x128xi1>, vector<1024x128xi32>
    %slice3A_265 = vector.extract_strided_slice %add3A_246 {offsets = [0, 384], sizes = [1024, 128], strides = [1, 1]} : vector<1024x1024xf32> to vector<1024x128xf32>
    %lt3A_266 = arith.cmpf olt, %slice3A_265, %select_n3A_261 : vector<1024x128xf32>
    %select_n3A_267 = arith.select %lt3A_266, %slice3A_265, %select_n3A_261 : vector<1024x128xi1>, vector<1024x128xf32>
    %jit3A_268 = arith.constant 19 : i32
    %broadcast_in_dim3A_269 = vector.broadcast %jit3A_268 : i32 to vector<1024x128xi32>
    %select_n3A_270 = arith.select %lt3A_266, %broadcast_in_dim3A_269, %select_n3A_264 : vector<1024x128xi1>, vector<1024x128xi32>
    %slice3A_271 = vector.extract_strided_slice %add3A_246 {offsets = [0, 512], sizes = [1024, 128], strides = [1, 1]} : vector<1024x1024xf32> to vector<1024x128xf32>
    %lt3A_272 = arith.cmpf olt, %slice3A_271, %select_n3A_267 : vector<1024x128xf32>
    %select_n3A_273 = arith.select %lt3A_272, %slice3A_271, %select_n3A_267 : vector<1024x128xi1>, vector<1024x128xf32>
    %jit3A_274 = arith.constant 20 : i32
    %broadcast_in_dim3A_275 = vector.broadcast %jit3A_274 : i32 to vector<1024x128xi32>
    %select_n3A_276 = arith.select %lt3A_272, %broadcast_in_dim3A_275, %select_n3A_270 : vector<1024x128xi1>, vector<1024x128xi32>
    %slice3A_277 = vector.extract_strided_slice %add3A_246 {offsets = [0, 640], sizes = [1024, 128], strides = [1, 1]} : vector<1024x1024xf32> to vector<1024x128xf32>
    %lt3A_278 = arith.cmpf olt, %slice3A_277, %select_n3A_273 : vector<1024x128xf32>
    %select_n3A_279 = arith.select %lt3A_278, %slice3A_277, %select_n3A_273 : vector<1024x128xi1>, vector<1024x128xf32>
    %jit3A_280 = arith.constant 21 : i32
    %broadcast_in_dim3A_281 = vector.broadcast %jit3A_280 : i32 to vector<1024x128xi32>
    %select_n3A_282 = arith.select %lt3A_278, %broadcast_in_dim3A_281, %select_n3A_276 : vector<1024x128xi1>, vector<1024x128xi32>
    %slice3A_283 = vector.extract_strided_slice %add3A_246 {offsets = [0, 768], sizes = [1024, 128], strides = [1, 1]} : vector<1024x1024xf32> to vector<1024x128xf32>
    %lt3A_284 = arith.cmpf olt, %slice3A_283, %select_n3A_279 : vector<1024x128xf32>
    %select_n3A_285 = arith.select %lt3A_284, %slice3A_283, %select_n3A_279 : vector<1024x128xi1>, vector<1024x128xf32>
    %jit3A_286 = arith.constant 22 : i32
    %broadcast_in_dim3A_287 = vector.broadcast %jit3A_286 : i32 to vector<1024x128xi32>
    %select_n3A_288 = arith.select %lt3A_284, %broadcast_in_dim3A_287, %select_n3A_282 : vector<1024x128xi1>, vector<1024x128xi32>
    %slice3A_289 = vector.extract_strided_slice %add3A_246 {offsets = [0, 896], sizes = [1024, 128], strides = [1, 1]} : vector<1024x1024xf32> to vector<1024x128xf32>
    %lt3A_290 = arith.cmpf olt, %slice3A_289, %select_n3A_285 : vector<1024x128xf32>
    %select_n3A_291 = arith.select %lt3A_290, %slice3A_289, %select_n3A_285 : vector<1024x128xi1>, vector<1024x128xf32>
    %jit3A_292 = arith.constant 23 : i32
    %broadcast_in_dim3A_293 = vector.broadcast %jit3A_292 : i32 to vector<1024x128xi32>
    %select_n3A_294 = arith.select %lt3A_290, %broadcast_in_dim3A_293, %select_n3A_288 : vector<1024x128xi1>, vector<1024x128xi32>
    %get3A_295 = arith.constant 0 : index
    %get3A_296 = arith.constant 3072 : index
    %get3A_297 = vector.load %arg12[%get3A_295, %get3A_296] : memref<256x8192xbf16, #tpu.memory_space<vmem>>, vector<256x1024xbf16>
    %dot_general3A_298 = arith.constant dense<0.000000e+00> : vector<1024x1024xf32>
    %dot_general3A_299 = tpu.matmul %convert_element_type3A_109, %get3A_297, %dot_general3A_298 {dimension_numbers = #tpu.dot_dimension_numbers<[1], [0], [0], [1], [0, 0, 1, 1], [], []>, transpose_lhs_hint = false} : vector<1024x256xbf16>, vector<256x1024xbf16>, vector<1024x1024xf32> -> vector<1024x1024xf32>
    %add3A_300 = vector.broadcast %broadcast_in_dim3A_113 : vector<1024x1xf32> to vector<1024x1024xf32>
    %add3A_301 = arith.addf %add3A_300, %dot_general3A_299 : vector<1024x1024xf32>
    %get3A_302 = arith.constant 0 : index
    %get3A_303 = arith.constant 3072 : index
    %get3A_304 = vector.load %arg13[%get3A_302, %get3A_303] : memref<1x8192xf32, #tpu.memory_space<vmem>>, vector<1x1024xf32>
    %add3A_305 = vector.broadcast %get3A_304 : vector<1x1024xf32> to vector<1024x1024xf32>
    %add3A_306 = arith.addf %add3A_301, %add3A_305 : vector<1024x1024xf32>
    %slice3A_307 = vector.extract_strided_slice %add3A_306 {offsets = [0, 0], sizes = [1024, 128], strides = [1, 1]} : vector<1024x1024xf32> to vector<1024x128xf32>
    %lt3A_308 = arith.cmpf olt, %slice3A_307, %select_n3A_291 : vector<1024x128xf32>
    %select_n3A_309 = arith.select %lt3A_308, %slice3A_307, %select_n3A_291 : vector<1024x128xi1>, vector<1024x128xf32>
    %jit3A_310 = arith.constant 24 : i32
    %broadcast_in_dim3A_311 = vector.broadcast %jit3A_310 : i32 to vector<1024x128xi32>
    %select_n3A_312 = arith.select %lt3A_308, %broadcast_in_dim3A_311, %select_n3A_294 : vector<1024x128xi1>, vector<1024x128xi32>
    %slice3A_313 = vector.extract_strided_slice %add3A_306 {offsets = [0, 128], sizes = [1024, 128], strides = [1, 1]} : vector<1024x1024xf32> to vector<1024x128xf32>
    %lt3A_314 = arith.cmpf olt, %slice3A_313, %select_n3A_309 : vector<1024x128xf32>
    %select_n3A_315 = arith.select %lt3A_314, %slice3A_313, %select_n3A_309 : vector<1024x128xi1>, vector<1024x128xf32>
    %jit3A_316 = arith.constant 25 : i32
    %broadcast_in_dim3A_317 = vector.broadcast %jit3A_316 : i32 to vector<1024x128xi32>
    %select_n3A_318 = arith.select %lt3A_314, %broadcast_in_dim3A_317, %select_n3A_312 : vector<1024x128xi1>, vector<1024x128xi32>
    %slice3A_319 = vector.extract_strided_slice %add3A_306 {offsets = [0, 256], sizes = [1024, 128], strides = [1, 1]} : vector<1024x1024xf32> to vector<1024x128xf32>
    %lt3A_320 = arith.cmpf olt, %slice3A_319, %select_n3A_315 : vector<1024x128xf32>
    %select_n3A_321 = arith.select %lt3A_320, %slice3A_319, %select_n3A_315 : vector<1024x128xi1>, vector<1024x128xf32>
    %jit3A_322 = arith.constant 26 : i32
    %broadcast_in_dim3A_323 = vector.broadcast %jit3A_322 : i32 to vector<1024x128xi32>
    %select_n3A_324 = arith.select %lt3A_320, %broadcast_in_dim3A_323, %select_n3A_318 : vector<1024x128xi1>, vector<1024x128xi32>
    %slice3A_325 = vector.extract_strided_slice %add3A_306 {offsets = [0, 384], sizes = [1024, 128], strides = [1, 1]} : vector<1024x1024xf32> to vector<1024x128xf32>
    %lt3A_326 = arith.cmpf olt, %slice3A_325, %select_n3A_321 : vector<1024x128xf32>
    %select_n3A_327 = arith.select %lt3A_326, %slice3A_325, %select_n3A_321 : vector<1024x128xi1>, vector<1024x128xf32>
    %jit3A_328 = arith.constant 27 : i32
    %broadcast_in_dim3A_329 = vector.broadcast %jit3A_328 : i32 to vector<1024x128xi32>
    %select_n3A_330 = arith.select %lt3A_326, %broadcast_in_dim3A_329, %select_n3A_324 : vector<1024x128xi1>, vector<1024x128xi32>
    %slice3A_331 = vector.extract_strided_slice %add3A_306 {offsets = [0, 512], sizes = [1024, 128], strides = [1, 1]} : vector<1024x1024xf32> to vector<1024x128xf32>
    %lt3A_332 = arith.cmpf olt, %slice3A_331, %select_n3A_327 : vector<1024x128xf32>
    %select_n3A_333 = arith.select %lt3A_332, %slice3A_331, %select_n3A_327 : vector<1024x128xi1>, vector<1024x128xf32>
    %jit3A_334 = arith.constant 28 : i32
    %broadcast_in_dim3A_335 = vector.broadcast %jit3A_334 : i32 to vector<1024x128xi32>
    %select_n3A_336 = arith.select %lt3A_332, %broadcast_in_dim3A_335, %select_n3A_330 : vector<1024x128xi1>, vector<1024x128xi32>
    %slice3A_337 = vector.extract_strided_slice %add3A_306 {offsets = [0, 640], sizes = [1024, 128], strides = [1, 1]} : vector<1024x1024xf32> to vector<1024x128xf32>
    %lt3A_338 = arith.cmpf olt, %slice3A_337, %select_n3A_333 : vector<1024x128xf32>
    %select_n3A_339 = arith.select %lt3A_338, %slice3A_337, %select_n3A_333 : vector<1024x128xi1>, vector<1024x128xf32>
    %jit3A_340 = arith.constant 29 : i32
    %broadcast_in_dim3A_341 = vector.broadcast %jit3A_340 : i32 to vector<1024x128xi32>
    %select_n3A_342 = arith.select %lt3A_338, %broadcast_in_dim3A_341, %select_n3A_336 : vector<1024x128xi1>, vector<1024x128xi32>
    %slice3A_343 = vector.extract_strided_slice %add3A_306 {offsets = [0, 768], sizes = [1024, 128], strides = [1, 1]} : vector<1024x1024xf32> to vector<1024x128xf32>
    %lt3A_344 = arith.cmpf olt, %slice3A_343, %select_n3A_339 : vector<1024x128xf32>
    %select_n3A_345 = arith.select %lt3A_344, %slice3A_343, %select_n3A_339 : vector<1024x128xi1>, vector<1024x128xf32>
    %jit3A_346 = arith.constant 30 : i32
    %broadcast_in_dim3A_347 = vector.broadcast %jit3A_346 : i32 to vector<1024x128xi32>
    %select_n3A_348 = arith.select %lt3A_344, %broadcast_in_dim3A_347, %select_n3A_342 : vector<1024x128xi1>, vector<1024x128xi32>
    %slice3A_349 = vector.extract_strided_slice %add3A_306 {offsets = [0, 896], sizes = [1024, 128], strides = [1, 1]} : vector<1024x1024xf32> to vector<1024x128xf32>
    %lt3A_350 = arith.cmpf olt, %slice3A_349, %select_n3A_345 : vector<1024x128xf32>
    %select_n3A_351 = arith.select %lt3A_350, %slice3A_349, %select_n3A_345 : vector<1024x128xi1>, vector<1024x128xf32>
    %jit3A_352 = arith.constant 31 : i32
    %broadcast_in_dim3A_353 = vector.broadcast %jit3A_352 : i32 to vector<1024x128xi32>
    %select_n3A_354 = arith.select %lt3A_350, %broadcast_in_dim3A_353, %select_n3A_348 : vector<1024x128xi1>, vector<1024x128xi32>
    %get3A_355 = arith.constant 0 : index
    %get3A_356 = arith.constant 4096 : index
    %get3A_357 = vector.load %arg12[%get3A_355, %get3A_356] : memref<256x8192xbf16, #tpu.memory_space<vmem>>, vector<256x1024xbf16>
    %dot_general3A_358 = arith.constant dense<0.000000e+00> : vector<1024x1024xf32>
    %dot_general3A_359 = tpu.matmul %convert_element_type3A_109, %get3A_357, %dot_general3A_358 {dimension_numbers = #tpu.dot_dimension_numbers<[1], [0], [0], [1], [0, 0, 1, 1], [], []>, transpose_lhs_hint = false} : vector<1024x256xbf16>, vector<256x1024xbf16>, vector<1024x1024xf32> -> vector<1024x1024xf32>
    %add3A_360 = vector.broadcast %broadcast_in_dim3A_113 : vector<1024x1xf32> to vector<1024x1024xf32>
    %add3A_361 = arith.addf %add3A_360, %dot_general3A_359 : vector<1024x1024xf32>
    %get3A_362 = arith.constant 0 : index
    %get3A_363 = arith.constant 4096 : index
    %get3A_364 = vector.load %arg13[%get3A_362, %get3A_363] : memref<1x8192xf32, #tpu.memory_space<vmem>>, vector<1x1024xf32>
    %add3A_365 = vector.broadcast %get3A_364 : vector<1x1024xf32> to vector<1024x1024xf32>
    %add3A_366 = arith.addf %add3A_361, %add3A_365 : vector<1024x1024xf32>
    %slice3A_367 = vector.extract_strided_slice %add3A_366 {offsets = [0, 0], sizes = [1024, 128], strides = [1, 1]} : vector<1024x1024xf32> to vector<1024x128xf32>
    %lt3A_368 = arith.cmpf olt, %slice3A_367, %select_n3A_351 : vector<1024x128xf32>
    %select_n3A_369 = arith.select %lt3A_368, %slice3A_367, %select_n3A_351 : vector<1024x128xi1>, vector<1024x128xf32>
    %jit3A_370 = arith.constant 32 : i32
    %broadcast_in_dim3A_371 = vector.broadcast %jit3A_370 : i32 to vector<1024x128xi32>
    %select_n3A_372 = arith.select %lt3A_368, %broadcast_in_dim3A_371, %select_n3A_354 : vector<1024x128xi1>, vector<1024x128xi32>
    %slice3A_373 = vector.extract_strided_slice %add3A_366 {offsets = [0, 128], sizes = [1024, 128], strides = [1, 1]} : vector<1024x1024xf32> to vector<1024x128xf32>
    %lt3A_374 = arith.cmpf olt, %slice3A_373, %select_n3A_369 : vector<1024x128xf32>
    %select_n3A_375 = arith.select %lt3A_374, %slice3A_373, %select_n3A_369 : vector<1024x128xi1>, vector<1024x128xf32>
    %jit3A_376 = arith.constant 33 : i32
    %broadcast_in_dim3A_377 = vector.broadcast %jit3A_376 : i32 to vector<1024x128xi32>
    %select_n3A_378 = arith.select %lt3A_374, %broadcast_in_dim3A_377, %select_n3A_372 : vector<1024x128xi1>, vector<1024x128xi32>
    %slice3A_379 = vector.extract_strided_slice %add3A_366 {offsets = [0, 256], sizes = [1024, 128], strides = [1, 1]} : vector<1024x1024xf32> to vector<1024x128xf32>
    %lt3A_380 = arith.cmpf olt, %slice3A_379, %select_n3A_375 : vector<1024x128xf32>
    %select_n3A_381 = arith.select %lt3A_380, %slice3A_379, %select_n3A_375 : vector<1024x128xi1>, vector<1024x128xf32>
    %jit3A_382 = arith.constant 34 : i32
    %broadcast_in_dim3A_383 = vector.broadcast %jit3A_382 : i32 to vector<1024x128xi32>
    %select_n3A_384 = arith.select %lt3A_380, %broadcast_in_dim3A_383, %select_n3A_378 : vector<1024x128xi1>, vector<1024x128xi32>
    %slice3A_385 = vector.extract_strided_slice %add3A_366 {offsets = [0, 384], sizes = [1024, 128], strides = [1, 1]} : vector<1024x1024xf32> to vector<1024x128xf32>
    %lt3A_386 = arith.cmpf olt, %slice3A_385, %select_n3A_381 : vector<1024x128xf32>
    %select_n3A_387 = arith.select %lt3A_386, %slice3A_385, %select_n3A_381 : vector<1024x128xi1>, vector<1024x128xf32>
    %jit3A_388 = arith.constant 35 : i32
    %broadcast_in_dim3A_389 = vector.broadcast %jit3A_388 : i32 to vector<1024x128xi32>
    %select_n3A_390 = arith.select %lt3A_386, %broadcast_in_dim3A_389, %select_n3A_384 : vector<1024x128xi1>, vector<1024x128xi32>
    %slice3A_391 = vector.extract_strided_slice %add3A_366 {offsets = [0, 512], sizes = [1024, 128], strides = [1, 1]} : vector<1024x1024xf32> to vector<1024x128xf32>
    %lt3A_392 = arith.cmpf olt, %slice3A_391, %select_n3A_387 : vector<1024x128xf32>
    %select_n3A_393 = arith.select %lt3A_392, %slice3A_391, %select_n3A_387 : vector<1024x128xi1>, vector<1024x128xf32>
    %jit3A_394 = arith.constant 36 : i32
    %broadcast_in_dim3A_395 = vector.broadcast %jit3A_394 : i32 to vector<1024x128xi32>
    %select_n3A_396 = arith.select %lt3A_392, %broadcast_in_dim3A_395, %select_n3A_390 : vector<1024x128xi1>, vector<1024x128xi32>
    %slice3A_397 = vector.extract_strided_slice %add3A_366 {offsets = [0, 640], sizes = [1024, 128], strides = [1, 1]} : vector<1024x1024xf32> to vector<1024x128xf32>
    %lt3A_398 = arith.cmpf olt, %slice3A_397, %select_n3A_393 : vector<1024x128xf32>
    %select_n3A_399 = arith.select %lt3A_398, %slice3A_397, %select_n3A_393 : vector<1024x128xi1>, vector<1024x128xf32>
    %jit3A_400 = arith.constant 37 : i32
    %broadcast_in_dim3A_401 = vector.broadcast %jit3A_400 : i32 to vector<1024x128xi32>
    %select_n3A_402 = arith.select %lt3A_398, %broadcast_in_dim3A_401, %select_n3A_396 : vector<1024x128xi1>, vector<1024x128xi32>
    %slice3A_403 = vector.extract_strided_slice %add3A_366 {offsets = [0, 768], sizes = [1024, 128], strides = [1, 1]} : vector<1024x1024xf32> to vector<1024x128xf32>
    %lt3A_404 = arith.cmpf olt, %slice3A_403, %select_n3A_399 : vector<1024x128xf32>
    %select_n3A_405 = arith.select %lt3A_404, %slice3A_403, %select_n3A_399 : vector<1024x128xi1>, vector<1024x128xf32>
    %jit3A_406 = arith.constant 38 : i32
    %broadcast_in_dim3A_407 = vector.broadcast %jit3A_406 : i32 to vector<1024x128xi32>
    %select_n3A_408 = arith.select %lt3A_404, %broadcast_in_dim3A_407, %select_n3A_402 : vector<1024x128xi1>, vector<1024x128xi32>
    %slice3A_409 = vector.extract_strided_slice %add3A_366 {offsets = [0, 896], sizes = [1024, 128], strides = [1, 1]} : vector<1024x1024xf32> to vector<1024x128xf32>
    %lt3A_410 = arith.cmpf olt, %slice3A_409, %select_n3A_405 : vector<1024x128xf32>
    %select_n3A_411 = arith.select %lt3A_410, %slice3A_409, %select_n3A_405 : vector<1024x128xi1>, vector<1024x128xf32>
    %jit3A_412 = arith.constant 39 : i32
    %broadcast_in_dim3A_413 = vector.broadcast %jit3A_412 : i32 to vector<1024x128xi32>
    %select_n3A_414 = arith.select %lt3A_410, %broadcast_in_dim3A_413, %select_n3A_408 : vector<1024x128xi1>, vector<1024x128xi32>
    %get3A_415 = arith.constant 0 : index
    %get3A_416 = arith.constant 5120 : index
    %get3A_417 = vector.load %arg12[%get3A_415, %get3A_416] : memref<256x8192xbf16, #tpu.memory_space<vmem>>, vector<256x1024xbf16>
    %dot_general3A_418 = arith.constant dense<0.000000e+00> : vector<1024x1024xf32>
    %dot_general3A_419 = tpu.matmul %convert_element_type3A_109, %get3A_417, %dot_general3A_418 {dimension_numbers = #tpu.dot_dimension_numbers<[1], [0], [0], [1], [0, 0, 1, 1], [], []>, transpose_lhs_hint = false} : vector<1024x256xbf16>, vector<256x1024xbf16>, vector<1024x1024xf32> -> vector<1024x1024xf32>
    %add3A_420 = vector.broadcast %broadcast_in_dim3A_113 : vector<1024x1xf32> to vector<1024x1024xf32>
    %add3A_421 = arith.addf %add3A_420, %dot_general3A_419 : vector<1024x1024xf32>
    %get3A_422 = arith.constant 0 : index
    %get3A_423 = arith.constant 5120 : index
    %get3A_424 = vector.load %arg13[%get3A_422, %get3A_423] : memref<1x8192xf32, #tpu.memory_space<vmem>>, vector<1x1024xf32>
    %add3A_425 = vector.broadcast %get3A_424 : vector<1x1024xf32> to vector<1024x1024xf32>
    %add3A_426 = arith.addf %add3A_421, %add3A_425 : vector<1024x1024xf32>
    %slice3A_427 = vector.extract_strided_slice %add3A_426 {offsets = [0, 0], sizes = [1024, 128], strides = [1, 1]} : vector<1024x1024xf32> to vector<1024x128xf32>
    %lt3A_428 = arith.cmpf olt, %slice3A_427, %select_n3A_411 : vector<1024x128xf32>
    %select_n3A_429 = arith.select %lt3A_428, %slice3A_427, %select_n3A_411 : vector<1024x128xi1>, vector<1024x128xf32>
    %jit3A_430 = arith.constant 40 : i32
    %broadcast_in_dim3A_431 = vector.broadcast %jit3A_430 : i32 to vector<1024x128xi32>
    %select_n3A_432 = arith.select %lt3A_428, %broadcast_in_dim3A_431, %select_n3A_414 : vector<1024x128xi1>, vector<1024x128xi32>
    %slice3A_433 = vector.extract_strided_slice %add3A_426 {offsets = [0, 128], sizes = [1024, 128], strides = [1, 1]} : vector<1024x1024xf32> to vector<1024x128xf32>
    %lt3A_434 = arith.cmpf olt, %slice3A_433, %select_n3A_429 : vector<1024x128xf32>
    %select_n3A_435 = arith.select %lt3A_434, %slice3A_433, %select_n3A_429 : vector<1024x128xi1>, vector<1024x128xf32>
    %jit3A_436 = arith.constant 41 : i32
    %broadcast_in_dim3A_437 = vector.broadcast %jit3A_436 : i32 to vector<1024x128xi32>
    %select_n3A_438 = arith.select %lt3A_434, %broadcast_in_dim3A_437, %select_n3A_432 : vector<1024x128xi1>, vector<1024x128xi32>
    %slice3A_439 = vector.extract_strided_slice %add3A_426 {offsets = [0, 256], sizes = [1024, 128], strides = [1, 1]} : vector<1024x1024xf32> to vector<1024x128xf32>
    %lt3A_440 = arith.cmpf olt, %slice3A_439, %select_n3A_435 : vector<1024x128xf32>
    %select_n3A_441 = arith.select %lt3A_440, %slice3A_439, %select_n3A_435 : vector<1024x128xi1>, vector<1024x128xf32>
    %jit3A_442 = arith.constant 42 : i32
    %broadcast_in_dim3A_443 = vector.broadcast %jit3A_442 : i32 to vector<1024x128xi32>
    %select_n3A_444 = arith.select %lt3A_440, %broadcast_in_dim3A_443, %select_n3A_438 : vector<1024x128xi1>, vector<1024x128xi32>
    %slice3A_445 = vector.extract_strided_slice %add3A_426 {offsets = [0, 384], sizes = [1024, 128], strides = [1, 1]} : vector<1024x1024xf32> to vector<1024x128xf32>
    %lt3A_446 = arith.cmpf olt, %slice3A_445, %select_n3A_441 : vector<1024x128xf32>
    %select_n3A_447 = arith.select %lt3A_446, %slice3A_445, %select_n3A_441 : vector<1024x128xi1>, vector<1024x128xf32>
    %jit3A_448 = arith.constant 43 : i32
    %broadcast_in_dim3A_449 = vector.broadcast %jit3A_448 : i32 to vector<1024x128xi32>
    %select_n3A_450 = arith.select %lt3A_446, %broadcast_in_dim3A_449, %select_n3A_444 : vector<1024x128xi1>, vector<1024x128xi32>
    %slice3A_451 = vector.extract_strided_slice %add3A_426 {offsets = [0, 512], sizes = [1024, 128], strides = [1, 1]} : vector<1024x1024xf32> to vector<1024x128xf32>
    %lt3A_452 = arith.cmpf olt, %slice3A_451, %select_n3A_447 : vector<1024x128xf32>
    %select_n3A_453 = arith.select %lt3A_452, %slice3A_451, %select_n3A_447 : vector<1024x128xi1>, vector<1024x128xf32>
    %jit3A_454 = arith.constant 44 : i32
    %broadcast_in_dim3A_455 = vector.broadcast %jit3A_454 : i32 to vector<1024x128xi32>
    %select_n3A_456 = arith.select %lt3A_452, %broadcast_in_dim3A_455, %select_n3A_450 : vector<1024x128xi1>, vector<1024x128xi32>
    %slice3A_457 = vector.extract_strided_slice %add3A_426 {offsets = [0, 640], sizes = [1024, 128], strides = [1, 1]} : vector<1024x1024xf32> to vector<1024x128xf32>
    %lt3A_458 = arith.cmpf olt, %slice3A_457, %select_n3A_453 : vector<1024x128xf32>
    %select_n3A_459 = arith.select %lt3A_458, %slice3A_457, %select_n3A_453 : vector<1024x128xi1>, vector<1024x128xf32>
    %jit3A_460 = arith.constant 45 : i32
    %broadcast_in_dim3A_461 = vector.broadcast %jit3A_460 : i32 to vector<1024x128xi32>
    %select_n3A_462 = arith.select %lt3A_458, %broadcast_in_dim3A_461, %select_n3A_456 : vector<1024x128xi1>, vector<1024x128xi32>
    %slice3A_463 = vector.extract_strided_slice %add3A_426 {offsets = [0, 768], sizes = [1024, 128], strides = [1, 1]} : vector<1024x1024xf32> to vector<1024x128xf32>
    %lt3A_464 = arith.cmpf olt, %slice3A_463, %select_n3A_459 : vector<1024x128xf32>
    %select_n3A_465 = arith.select %lt3A_464, %slice3A_463, %select_n3A_459 : vector<1024x128xi1>, vector<1024x128xf32>
    %jit3A_466 = arith.constant 46 : i32
    %broadcast_in_dim3A_467 = vector.broadcast %jit3A_466 : i32 to vector<1024x128xi32>
    %select_n3A_468 = arith.select %lt3A_464, %broadcast_in_dim3A_467, %select_n3A_462 : vector<1024x128xi1>, vector<1024x128xi32>
    %slice3A_469 = vector.extract_strided_slice %add3A_426 {offsets = [0, 896], sizes = [1024, 128], strides = [1, 1]} : vector<1024x1024xf32> to vector<1024x128xf32>
    %lt3A_470 = arith.cmpf olt, %slice3A_469, %select_n3A_465 : vector<1024x128xf32>
    %select_n3A_471 = arith.select %lt3A_470, %slice3A_469, %select_n3A_465 : vector<1024x128xi1>, vector<1024x128xf32>
    %jit3A_472 = arith.constant 47 : i32
    %broadcast_in_dim3A_473 = vector.broadcast %jit3A_472 : i32 to vector<1024x128xi32>
    %select_n3A_474 = arith.select %lt3A_470, %broadcast_in_dim3A_473, %select_n3A_468 : vector<1024x128xi1>, vector<1024x128xi32>
    %get3A_475 = arith.constant 0 : index
    %get3A_476 = arith.constant 6144 : index
    %get3A_477 = vector.load %arg12[%get3A_475, %get3A_476] : memref<256x8192xbf16, #tpu.memory_space<vmem>>, vector<256x1024xbf16>
    %dot_general3A_478 = arith.constant dense<0.000000e+00> : vector<1024x1024xf32>
    %dot_general3A_479 = tpu.matmul %convert_element_type3A_109, %get3A_477, %dot_general3A_478 {dimension_numbers = #tpu.dot_dimension_numbers<[1], [0], [0], [1], [0, 0, 1, 1], [], []>, transpose_lhs_hint = false} : vector<1024x256xbf16>, vector<256x1024xbf16>, vector<1024x1024xf32> -> vector<1024x1024xf32>
    %add3A_480 = vector.broadcast %broadcast_in_dim3A_113 : vector<1024x1xf32> to vector<1024x1024xf32>
    %add3A_481 = arith.addf %add3A_480, %dot_general3A_479 : vector<1024x1024xf32>
    %get3A_482 = arith.constant 0 : index
    %get3A_483 = arith.constant 6144 : index
    %get3A_484 = vector.load %arg13[%get3A_482, %get3A_483] : memref<1x8192xf32, #tpu.memory_space<vmem>>, vector<1x1024xf32>
    %add3A_485 = vector.broadcast %get3A_484 : vector<1x1024xf32> to vector<1024x1024xf32>
    %add3A_486 = arith.addf %add3A_481, %add3A_485 : vector<1024x1024xf32>
    %slice3A_487 = vector.extract_strided_slice %add3A_486 {offsets = [0, 0], sizes = [1024, 128], strides = [1, 1]} : vector<1024x1024xf32> to vector<1024x128xf32>
    %lt3A_488 = arith.cmpf olt, %slice3A_487, %select_n3A_471 : vector<1024x128xf32>
    %select_n3A_489 = arith.select %lt3A_488, %slice3A_487, %select_n3A_471 : vector<1024x128xi1>, vector<1024x128xf32>
    %jit3A_490 = arith.constant 48 : i32
    %broadcast_in_dim3A_491 = vector.broadcast %jit3A_490 : i32 to vector<1024x128xi32>
    %select_n3A_492 = arith.select %lt3A_488, %broadcast_in_dim3A_491, %select_n3A_474 : vector<1024x128xi1>, vector<1024x128xi32>
    %slice3A_493 = vector.extract_strided_slice %add3A_486 {offsets = [0, 128], sizes = [1024, 128], strides = [1, 1]} : vector<1024x1024xf32> to vector<1024x128xf32>
    %lt3A_494 = arith.cmpf olt, %slice3A_493, %select_n3A_489 : vector<1024x128xf32>
    %select_n3A_495 = arith.select %lt3A_494, %slice3A_493, %select_n3A_489 : vector<1024x128xi1>, vector<1024x128xf32>
    %jit3A_496 = arith.constant 49 : i32
    %broadcast_in_dim3A_497 = vector.broadcast %jit3A_496 : i32 to vector<1024x128xi32>
    %select_n3A_498 = arith.select %lt3A_494, %broadcast_in_dim3A_497, %select_n3A_492 : vector<1024x128xi1>, vector<1024x128xi32>
    %slice3A_499 = vector.extract_strided_slice %add3A_486 {offsets = [0, 256], sizes = [1024, 128], strides = [1, 1]} : vector<1024x1024xf32> to vector<1024x128xf32>
    %lt3A_500 = arith.cmpf olt, %slice3A_499, %select_n3A_495 : vector<1024x128xf32>
    %select_n3A_501 = arith.select %lt3A_500, %slice3A_499, %select_n3A_495 : vector<1024x128xi1>, vector<1024x128xf32>
    %jit3A_502 = arith.constant 50 : i32
    %broadcast_in_dim3A_503 = vector.broadcast %jit3A_502 : i32 to vector<1024x128xi32>
    %select_n3A_504 = arith.select %lt3A_500, %broadcast_in_dim3A_503, %select_n3A_498 : vector<1024x128xi1>, vector<1024x128xi32>
    %slice3A_505 = vector.extract_strided_slice %add3A_486 {offsets = [0, 384], sizes = [1024, 128], strides = [1, 1]} : vector<1024x1024xf32> to vector<1024x128xf32>
    %lt3A_506 = arith.cmpf olt, %slice3A_505, %select_n3A_501 : vector<1024x128xf32>
    %select_n3A_507 = arith.select %lt3A_506, %slice3A_505, %select_n3A_501 : vector<1024x128xi1>, vector<1024x128xf32>
    %jit3A_508 = arith.constant 51 : i32
    %broadcast_in_dim3A_509 = vector.broadcast %jit3A_508 : i32 to vector<1024x128xi32>
    %select_n3A_510 = arith.select %lt3A_506, %broadcast_in_dim3A_509, %select_n3A_504 : vector<1024x128xi1>, vector<1024x128xi32>
    %slice3A_511 = vector.extract_strided_slice %add3A_486 {offsets = [0, 512], sizes = [1024, 128], strides = [1, 1]} : vector<1024x1024xf32> to vector<1024x128xf32>
    %lt3A_512 = arith.cmpf olt, %slice3A_511, %select_n3A_507 : vector<1024x128xf32>
    %select_n3A_513 = arith.select %lt3A_512, %slice3A_511, %select_n3A_507 : vector<1024x128xi1>, vector<1024x128xf32>
    %jit3A_514 = arith.constant 52 : i32
    %broadcast_in_dim3A_515 = vector.broadcast %jit3A_514 : i32 to vector<1024x128xi32>
    %select_n3A_516 = arith.select %lt3A_512, %broadcast_in_dim3A_515, %select_n3A_510 : vector<1024x128xi1>, vector<1024x128xi32>
    %slice3A_517 = vector.extract_strided_slice %add3A_486 {offsets = [0, 640], sizes = [1024, 128], strides = [1, 1]} : vector<1024x1024xf32> to vector<1024x128xf32>
    %lt3A_518 = arith.cmpf olt, %slice3A_517, %select_n3A_513 : vector<1024x128xf32>
    %select_n3A_519 = arith.select %lt3A_518, %slice3A_517, %select_n3A_513 : vector<1024x128xi1>, vector<1024x128xf32>
    %jit3A_520 = arith.constant 53 : i32
    %broadcast_in_dim3A_521 = vector.broadcast %jit3A_520 : i32 to vector<1024x128xi32>
    %select_n3A_522 = arith.select %lt3A_518, %broadcast_in_dim3A_521, %select_n3A_516 : vector<1024x128xi1>, vector<1024x128xi32>
    %slice3A_523 = vector.extract_strided_slice %add3A_486 {offsets = [0, 768], sizes = [1024, 128], strides = [1, 1]} : vector<1024x1024xf32> to vector<1024x128xf32>
    %lt3A_524 = arith.cmpf olt, %slice3A_523, %select_n3A_519 : vector<1024x128xf32>
    %select_n3A_525 = arith.select %lt3A_524, %slice3A_523, %select_n3A_519 : vector<1024x128xi1>, vector<1024x128xf32>
    %jit3A_526 = arith.constant 54 : i32
    %broadcast_in_dim3A_527 = vector.broadcast %jit3A_526 : i32 to vector<1024x128xi32>
    %select_n3A_528 = arith.select %lt3A_524, %broadcast_in_dim3A_527, %select_n3A_522 : vector<1024x128xi1>, vector<1024x128xi32>
    %slice3A_529 = vector.extract_strided_slice %add3A_486 {offsets = [0, 896], sizes = [1024, 128], strides = [1, 1]} : vector<1024x1024xf32> to vector<1024x128xf32>
    %lt3A_530 = arith.cmpf olt, %slice3A_529, %select_n3A_525 : vector<1024x128xf32>
    %select_n3A_531 = arith.select %lt3A_530, %slice3A_529, %select_n3A_525 : vector<1024x128xi1>, vector<1024x128xf32>
    %jit3A_532 = arith.constant 55 : i32
    %broadcast_in_dim3A_533 = vector.broadcast %jit3A_532 : i32 to vector<1024x128xi32>
    %select_n3A_534 = arith.select %lt3A_530, %broadcast_in_dim3A_533, %select_n3A_528 : vector<1024x128xi1>, vector<1024x128xi32>
    %get3A_535 = arith.constant 0 : index
    %get3A_536 = arith.constant 7168 : index
    %get3A_537 = vector.load %arg12[%get3A_535, %get3A_536] : memref<256x8192xbf16, #tpu.memory_space<vmem>>, vector<256x1024xbf16>
    %dot_general3A_538 = arith.constant dense<0.000000e+00> : vector<1024x1024xf32>
    %dot_general3A_539 = tpu.matmul %convert_element_type3A_109, %get3A_537, %dot_general3A_538 {dimension_numbers = #tpu.dot_dimension_numbers<[1], [0], [0], [1], [0, 0, 1, 1], [], []>, transpose_lhs_hint = false} : vector<1024x256xbf16>, vector<256x1024xbf16>, vector<1024x1024xf32> -> vector<1024x1024xf32>
    %add3A_540 = vector.broadcast %broadcast_in_dim3A_113 : vector<1024x1xf32> to vector<1024x1024xf32>
    %add3A_541 = arith.addf %add3A_540, %dot_general3A_539 : vector<1024x1024xf32>
    %get3A_542 = arith.constant 0 : index
    %get3A_543 = arith.constant 7168 : index
    %get3A_544 = vector.load %arg13[%get3A_542, %get3A_543] : memref<1x8192xf32, #tpu.memory_space<vmem>>, vector<1x1024xf32>
    %add3A_545 = vector.broadcast %get3A_544 : vector<1x1024xf32> to vector<1024x1024xf32>
    %add3A_546 = arith.addf %add3A_541, %add3A_545 : vector<1024x1024xf32>
    %slice3A_547 = vector.extract_strided_slice %add3A_546 {offsets = [0, 0], sizes = [1024, 128], strides = [1, 1]} : vector<1024x1024xf32> to vector<1024x128xf32>
    %lt3A_548 = arith.cmpf olt, %slice3A_547, %select_n3A_531 : vector<1024x128xf32>
    %select_n3A_549 = arith.select %lt3A_548, %slice3A_547, %select_n3A_531 : vector<1024x128xi1>, vector<1024x128xf32>
    %jit3A_550 = arith.constant 56 : i32
    %broadcast_in_dim3A_551 = vector.broadcast %jit3A_550 : i32 to vector<1024x128xi32>
    %select_n3A_552 = arith.select %lt3A_548, %broadcast_in_dim3A_551, %select_n3A_534 : vector<1024x128xi1>, vector<1024x128xi32>
    %slice3A_553 = vector.extract_strided_slice %add3A_546 {offsets = [0, 128], sizes = [1024, 128], strides = [1, 1]} : vector<1024x1024xf32> to vector<1024x128xf32>
    %lt3A_554 = arith.cmpf olt, %slice3A_553, %select_n3A_549 : vector<1024x128xf32>
    %select_n3A_555 = arith.select %lt3A_554, %slice3A_553, %select_n3A_549 : vector<1024x128xi1>, vector<1024x128xf32>
    %jit3A_556 = arith.constant 57 : i32
    %broadcast_in_dim3A_557 = vector.broadcast %jit3A_556 : i32 to vector<1024x128xi32>
    %select_n3A_558 = arith.select %lt3A_554, %broadcast_in_dim3A_557, %select_n3A_552 : vector<1024x128xi1>, vector<1024x128xi32>
    %slice3A_559 = vector.extract_strided_slice %add3A_546 {offsets = [0, 256], sizes = [1024, 128], strides = [1, 1]} : vector<1024x1024xf32> to vector<1024x128xf32>
    %lt3A_560 = arith.cmpf olt, %slice3A_559, %select_n3A_555 : vector<1024x128xf32>
    %select_n3A_561 = arith.select %lt3A_560, %slice3A_559, %select_n3A_555 : vector<1024x128xi1>, vector<1024x128xf32>
    %jit3A_562 = arith.constant 58 : i32
    %broadcast_in_dim3A_563 = vector.broadcast %jit3A_562 : i32 to vector<1024x128xi32>
    %select_n3A_564 = arith.select %lt3A_560, %broadcast_in_dim3A_563, %select_n3A_558 : vector<1024x128xi1>, vector<1024x128xi32>
    %slice3A_565 = vector.extract_strided_slice %add3A_546 {offsets = [0, 384], sizes = [1024, 128], strides = [1, 1]} : vector<1024x1024xf32> to vector<1024x128xf32>
    %lt3A_566 = arith.cmpf olt, %slice3A_565, %select_n3A_561 : vector<1024x128xf32>
    %select_n3A_567 = arith.select %lt3A_566, %slice3A_565, %select_n3A_561 : vector<1024x128xi1>, vector<1024x128xf32>
    %jit3A_568 = arith.constant 59 : i32
    %broadcast_in_dim3A_569 = vector.broadcast %jit3A_568 : i32 to vector<1024x128xi32>
    %select_n3A_570 = arith.select %lt3A_566, %broadcast_in_dim3A_569, %select_n3A_564 : vector<1024x128xi1>, vector<1024x128xi32>
    %slice3A_571 = vector.extract_strided_slice %add3A_546 {offsets = [0, 512], sizes = [1024, 128], strides = [1, 1]} : vector<1024x1024xf32> to vector<1024x128xf32>
    %lt3A_572 = arith.cmpf olt, %slice3A_571, %select_n3A_567 : vector<1024x128xf32>
    %select_n3A_573 = arith.select %lt3A_572, %slice3A_571, %select_n3A_567 : vector<1024x128xi1>, vector<1024x128xf32>
    %jit3A_574 = arith.constant 60 : i32
    %broadcast_in_dim3A_575 = vector.broadcast %jit3A_574 : i32 to vector<1024x128xi32>
    %select_n3A_576 = arith.select %lt3A_572, %broadcast_in_dim3A_575, %select_n3A_570 : vector<1024x128xi1>, vector<1024x128xi32>
    %slice3A_577 = vector.extract_strided_slice %add3A_546 {offsets = [0, 640], sizes = [1024, 128], strides = [1, 1]} : vector<1024x1024xf32> to vector<1024x128xf32>
    %lt3A_578 = arith.cmpf olt, %slice3A_577, %select_n3A_573 : vector<1024x128xf32>
    %select_n3A_579 = arith.select %lt3A_578, %slice3A_577, %select_n3A_573 : vector<1024x128xi1>, vector<1024x128xf32>
    %jit3A_580 = arith.constant 61 : i32
    %broadcast_in_dim3A_581 = vector.broadcast %jit3A_580 : i32 to vector<1024x128xi32>
    %select_n3A_582 = arith.select %lt3A_578, %broadcast_in_dim3A_581, %select_n3A_576 : vector<1024x128xi1>, vector<1024x128xi32>
    %slice3A_583 = vector.extract_strided_slice %add3A_546 {offsets = [0, 768], sizes = [1024, 128], strides = [1, 1]} : vector<1024x1024xf32> to vector<1024x128xf32>
    %lt3A_584 = arith.cmpf olt, %slice3A_583, %select_n3A_579 : vector<1024x128xf32>
    %select_n3A_585 = arith.select %lt3A_584, %slice3A_583, %select_n3A_579 : vector<1024x128xi1>, vector<1024x128xf32>
    %jit3A_586 = arith.constant 62 : i32
    %broadcast_in_dim3A_587 = vector.broadcast %jit3A_586 : i32 to vector<1024x128xi32>
    %select_n3A_588 = arith.select %lt3A_584, %broadcast_in_dim3A_587, %select_n3A_582 : vector<1024x128xi1>, vector<1024x128xi32>
    %slice3A_589 = vector.extract_strided_slice %add3A_546 {offsets = [0, 896], sizes = [1024, 128], strides = [1, 1]} : vector<1024x1024xf32> to vector<1024x128xf32>
    %lt3A_590 = arith.cmpf olt, %slice3A_589, %select_n3A_585 : vector<1024x128xf32>
    %select_n3A_591 = arith.select %lt3A_590, %slice3A_589, %select_n3A_585 : vector<1024x128xi1>, vector<1024x128xf32>
    %jit3A_592 = arith.constant 63 : i32
    %broadcast_in_dim3A_593 = vector.broadcast %jit3A_592 : i32 to vector<1024x128xi32>
    %select_n3A_594 = arith.select %lt3A_590, %broadcast_in_dim3A_593, %select_n3A_588 : vector<1024x128xi1>, vector<1024x128xi32>
    %iota3A = tpu.iota {dimensions = array<i32: 1>} : vector<1024x128xi32>
    %mul3A_595 = arith.constant 128 : i32
    %mul3A_596 = vector.broadcast %mul3A_595 : i32 to vector<1024x128xi32>
    %mul3A_597 = arith.muli %select_n3A_594, %mul3A_596 : vector<1024x128xi32>
    %add3A_598 = arith.addi %mul3A_597, %iota3A : vector<1024x128xi32>
    %reduce_min3A = arith.constant dense<0x7F800000> : vector<1024xf32>
    %reduce_min3A_599 = vector.multi_reduction <minimumf>, %select_n3A_591, %reduce_min3A [1] : vector<1024x128xf32> to vector<1024xf32>
    %broadcast_in_dim3A_600 = vector.shape_cast %reduce_min3A_599 : vector<1024xf32> to vector<1024x1xf32>
    %eq3A = vector.broadcast %broadcast_in_dim3A_600 : vector<1024x1xf32> to vector<1024x128xf32>
    %eq3A_601 = arith.cmpf oeq, %select_n3A_591, %eq3A : vector<1024x128xf32>
    %jit3A_602 = arith.constant 2147483647 : i32
    %broadcast_in_dim3A_603 = vector.broadcast %jit3A_602 : i32 to vector<1024x128xi32>
    %select_n3A_604 = arith.select %eq3A_601, %add3A_598, %broadcast_in_dim3A_603 : vector<1024x128xi1>, vector<1024x128xi32>
    %reduce_min3A_605 = arith.constant dense<2147483647> : vector<1024xi32>
    %reduce_min3A_606 = vector.multi_reduction <minsi>, %select_n3A_604, %reduce_min3A_605 [1] : vector<1024x128xi32> to vector<1024xi32>
    %broadcast_in_dim3A_607 = vector.shape_cast %reduce_min3A_606 : vector<1024xi32> to vector<1024x1xi32>
    %swap3A_608 = arith.constant 0 : index
    %swap3A_609 = arith.constant 0 : index
    %swap3A_610 = vector.load %arg15[%swap3A_608, %swap3A_609] : memref<1024x1xi32, #tpu.memory_space<vmem>>, vector<1024x1xi32>
    tpu.vector_store %arg15[%swap3A_608, %swap3A_609], %broadcast_in_dim3A_607 {strides = array<i32>} : memref<1024x1xi32, #tpu.memory_space<vmem>>, vector<1024x1xi32>,
    return
  }
  func.func @transform_0(%arg0: i32) -> (i32, i32) {
    %c0_i32 = arith.constant 0 : i32
    %c0_i32_0 = arith.constant 0 : i32
    return %arg0, %c0_i32 : i32, i32
  }
  func.func @transform_1(%arg0: i32) -> (i32, i32) {
    %c0_i32 = arith.constant 0 : i32
    %c0_i32_0 = arith.constant 0 : i32
    %c0_i32_1 = arith.constant 0 : i32
    return %c0_i32, %c0_i32_0 : i32, i32
  }
  func.func @transform_2(%arg0: i32) -> (i32, i32) {
    %c0_i32 = arith.constant 0 : i32
    %c0_i32_0 = arith.constant 0 : i32
    %c0_i32_1 = arith.constant 0 : i32
    return %c0_i32, %c0_i32_0 : i32, i32
  }
  func.func @transform_3(%arg0: i32) -> (i32, i32) {
    %c0_i32 = arith.constant 0 : i32
    %c0_i32_0 = arith.constant 0 : i32
    %c0_i32_1 = arith.constant 0 : i32
    return %c0_i32, %c0_i32_0 : i32, i32
  }
  func.func @transform_4(%arg0: i32) -> (i32, i32) {
    %c0_i32 = arith.constant 0 : i32
    %c0_i32_0 = arith.constant 0 : i32
    %c0_i32_1 = arith.constant 0 : i32
    return %c0_i32, %c0_i32_0 : i32, i32
  }
  func.func @transform_5(%arg0: i32) -> (i32, i32) {
    %c0_i32 = arith.constant 0 : i32
    %c0_i32_0 = arith.constant 0 : i32
    %c0_i32_1 = arith.constant 0 : i32
    return %c0_i32, %c0_i32_0 : i32, i32
  }
  func.func @transform_6(%arg0: i32) -> (i32, i32) {
    %c0_i32 = arith.constant 0 : i32
    %c0_i32_0 = arith.constant 0 : i32
    %c0_i32_1 = arith.constant 0 : i32
    return %c0_i32, %c0_i32_0 : i32, i32
  }
  func.func @transform_7(%arg0: i32) -> (i32, i32) {
    %c0_i32 = arith.constant 0 : i32
    %c0_i32_0 = arith.constant 0 : i32
    %c0_i32_1 = arith.constant 0 : i32
    return %c0_i32, %c0_i32_0 : i32, i32
  }
  func.func @transform_8(%arg0: i32) -> (i32, i32) {
    %c0_i32 = arith.constant 0 : i32
    %c0_i32_0 = arith.constant 0 : i32
    %c0_i32_1 = arith.constant 0 : i32
    return %c0_i32, %c0_i32_0 : i32, i32
  }
  func.func @transform_9(%arg0: i32) -> (i32, i32) {
    %c0_i32 = arith.constant 0 : i32
    %c0_i32_0 = arith.constant 0 : i32
    %c0_i32_1 = arith.constant 0 : i32
    return %c0_i32, %c0_i32_0 : i32, i32
  }
  func.func @transform_10(%arg0: i32) -> (i32, i32) {
    %c0_i32 = arith.constant 0 : i32
    %c0_i32_0 = arith.constant 0 : i32
    %c0_i32_1 = arith.constant 0 : i32
    return %c0_i32, %c0_i32_0 : i32, i32
  }
  func.func @transform_11(%arg0: i32) -> (i32, i32) {
    %c0_i32 = arith.constant 0 : i32
    %c0_i32_0 = arith.constant 0 : i32
    %c0_i32_1 = arith.constant 0 : i32
    return %c0_i32, %c0_i32_0 : i32, i32
  }
  func.func @transform_12(%arg0: i32) -> (i32, i32) {
    %c0_i32 = arith.constant 0 : i32
    %c0_i32_0 = arith.constant 0 : i32
    %c0_i32_1 = arith.constant 0 : i32
    return %c0_i32, %c0_i32_0 : i32, i32
  }
  func.func @transform_13(%arg0: i32) -> (i32, i32) {
    %c0_i32 = arith.constant 0 : i32
    %c0_i32_0 = arith.constant 0 : i32
    return %arg0, %c0_i32 : i32, i32
  }
  func.func @transform_14(%arg0: i32) -> (i32, i32) {
    %c0_i32 = arith.constant 0 : i32
    %c0_i32_0 = arith.constant 0 : i32
    return %arg0, %c0_i32 : i32, i32
  }
}

module attributes {stable_mosaic.version = 14 : i64} {
  func.func @_dec_body(%arg0: i32, %arg1: memref<1024x256xf32, #tpu.memory_space<vmem>>, %arg2: memref<1024x256xf32, #tpu.memory_space<vmem>>, %arg3: memref<256x1024xbf16, #tpu.memory_space<vmem>>, %arg4: memref<1x1024xf32, #tpu.memory_space<vmem>>, %arg5: memref<1x1024xf32, #tpu.memory_space<vmem>>, %arg6: memref<1x1024xf32, #tpu.memory_space<vmem>>, %arg7: memref<1024x2048xbf16, #tpu.memory_space<vmem>>, %arg8: memref<1x2048xf32, #tpu.memory_space<vmem>>, %arg9: memref<1x2048xf32, #tpu.memory_space<vmem>>, %arg10: memref<1x2048xf32, #tpu.memory_space<vmem>>, %arg11: memref<2048x768xbf16, #tpu.memory_space<vmem>>, %arg12: memref<1x768xf32, #tpu.memory_space<vmem>>, %arg13: memref<1024x768xf32, #tpu.memory_space<vmem>>, %arg14: memref<1x1xf32, #tpu.memory_space<vmem>>) attributes {dimension_semantics = [#tpu.dimension_semantics<arbitrary>], iteration_bounds = array<i64: 8>, scalar_prefetch = 0 : i64, scratch_operands = 0 : i64, tpu.core_type = #tpu.core_type<tc>, window_params = [{transform_indices = @transform_0, window_bounds = array<i64: 1024, 256>}, {transform_indices = @transform_1, window_bounds = array<i64: 1024, 256>}, {pipeline_mode = #tpu.pipeline_mode<synchronous>, transform_indices = @transform_2, window_bounds = array<i64: 256, 1024>}, {pipeline_mode = #tpu.pipeline_mode<synchronous>, transform_indices = @transform_3, window_bounds = array<i64: 1, 1024>}, {pipeline_mode = #tpu.pipeline_mode<synchronous>, transform_indices = @transform_4, window_bounds = array<i64: 1, 1024>}, {pipeline_mode = #tpu.pipeline_mode<synchronous>, transform_indices = @transform_5, window_bounds = array<i64: 1, 1024>}, {pipeline_mode = #tpu.pipeline_mode<synchronous>, transform_indices = @transform_6, window_bounds = array<i64: 1024, 2048>}, {pipeline_mode = #tpu.pipeline_mode<synchronous>, transform_indices = @transform_7, window_bounds = array<i64: 1, 2048>}, {pipeline_mode = #tpu.pipeline_mode<synchronous>, transform_indices = @transform_8, window_bounds = array<i64: 1, 2048>}, {pipeline_mode = #tpu.pipeline_mode<synchronous>, transform_indices = @transform_9, window_bounds = array<i64: 1, 2048>}, {pipeline_mode = #tpu.pipeline_mode<synchronous>, transform_indices = @transform_10, window_bounds = array<i64: 2048, 768>}, {pipeline_mode = #tpu.pipeline_mode<synchronous>, transform_indices = @transform_11, window_bounds = array<i64: 1, 768>}, {transform_indices = @transform_12, window_bounds = array<i64: 1024, 768>}, {pipeline_mode = #tpu.pipeline_mode<synchronous>, transform_indices = @transform_13, window_bounds = array<i64: 1, 1>}]} {
    %get3A = arith.constant 0 : index
    %get3A_0 = arith.constant 0 : index
    %get3A_1 = vector.load %arg1[%get3A, %get3A_0] : memref<1024x256xf32, #tpu.memory_space<vmem>>, vector<512x256xf32>
    %get3A_2 = arith.constant 0 : index
    %get3A_3 = arith.constant 0 : index
    %get3A_4 = vector.load %arg2[%get3A_2, %get3A_3] : memref<1024x256xf32, #tpu.memory_space<vmem>>, vector<512x256xf32>
    %sub3A = arith.subf %get3A_1, %get3A_4 : vector<512x256xf32>
    %mul3A = arith.mulf %sub3A, %sub3A : vector<512x256xf32>
    %reduce_sum3A = arith.constant dense<0.000000e+00> : vector<512xf32>
    %reduce_sum3A_5 = vector.multi_reduction <add>, %mul3A, %reduce_sum3A [1] : vector<512x256xf32> to vector<512xf32>
    %broadcast_in_dim3A = vector.shape_cast %reduce_sum3A_5 : vector<512xf32> to vector<512x1xf32>
    %reduce_sum3A_6 = arith.constant dense<0.000000e+00> : vector<1xf32>
    %reduce_sum3A_7 = vector.multi_reduction <add>, %broadcast_in_dim3A, %reduce_sum3A_6 [0] : vector<512x1xf32> to vector<1xf32>
    %broadcast_in_dim3A_8 = vector.shape_cast %reduce_sum3A_7 : vector<1xf32> to vector<1x1xf32>
    %sub3A_9 = arith.subf %get3A_4, %get3A_1 : vector<512x256xf32>
    %add3A = arith.addf %get3A_1, %sub3A_9 : vector<512x256xf32>
    %convert_element_type3A = arith.truncf %add3A : vector<512x256xf32> to vector<512x256xbf16>
    %get3A_10 = arith.constant 0 : index
    %get3A_11 = arith.constant 0 : index
    %get3A_12 = vector.load %arg3[%get3A_10, %get3A_11] : memref<256x1024xbf16, #tpu.memory_space<vmem>>, vector<256x1024xbf16>
    %dot_general3A = arith.constant dense<0.000000e+00> : vector<512x1024xf32>
    %dot_general3A_13 = tpu.matmul %convert_element_type3A, %get3A_12, %dot_general3A {dimension_numbers = #tpu.dot_dimension_numbers<[1], [0], [0], [1], [0, 0, 1, 1], [], []>, transpose_lhs_hint = false} : vector<512x256xbf16>, vector<256x1024xbf16>, vector<512x1024xf32> -> vector<512x1024xf32>
    %get3A_14 = arith.constant 0 : index
    %get3A_15 = arith.constant 0 : index
    %get3A_16 = vector.load %arg4[%get3A_14, %get3A_15] : memref<1x1024xf32, #tpu.memory_space<vmem>>, vector<1x1024xf32>
    %add3A_17 = vector.broadcast %get3A_16 : vector<1x1024xf32> to vector<512x1024xf32>
    %add3A_18 = arith.addf %dot_general3A_13, %add3A_17 : vector<512x1024xf32>
    %get3A_19 = arith.constant 0 : index
    %get3A_20 = arith.constant 0 : index
    %get3A_21 = vector.load %arg5[%get3A_19, %get3A_20] : memref<1x1024xf32, #tpu.memory_space<vmem>>, vector<1x1024xf32>
    %get3A_22 = arith.constant 0 : index
    %get3A_23 = arith.constant 0 : index
    %get3A_24 = vector.load %arg6[%get3A_22, %get3A_23] : memref<1x1024xf32, #tpu.memory_space<vmem>>, vector<1x1024xf32>
    %reduce_sum3A_25 = arith.constant dense<0.000000e+00> : vector<512xf32>
    %reduce_sum3A_26 = vector.multi_reduction <add>, %add3A_18, %reduce_sum3A_25 [1] : vector<512x1024xf32> to vector<512xf32>
    %broadcast_in_dim3A_27 = vector.shape_cast %reduce_sum3A_26 : vector<512xf32> to vector<512x1xf32>
    %div3A = arith.constant 1.024000e+03 : f32
    %div3A_28 = vector.broadcast %div3A : f32 to vector<512x1xf32>
    %div3A_29 = arith.divf %broadcast_in_dim3A_27, %div3A_28 : vector<512x1xf32>
    %sub3A_30 = vector.broadcast %div3A_29 : vector<512x1xf32> to vector<512x1024xf32>
    %sub3A_31 = arith.subf %add3A_18, %sub3A_30 : vector<512x1024xf32>
    %integer_pow3A = arith.mulf %sub3A_31, %sub3A_31 : vector<512x1024xf32>
    %reduce_sum3A_32 = arith.constant dense<0.000000e+00> : vector<512xf32>
    %reduce_sum3A_33 = vector.multi_reduction <add>, %integer_pow3A, %reduce_sum3A_32 [1] : vector<512x1024xf32> to vector<512xf32>
    %broadcast_in_dim3A_34 = vector.shape_cast %reduce_sum3A_33 : vector<512xf32> to vector<512x1xf32>
    %div3A_35 = arith.constant 1.024000e+03 : f32
    %div3A_36 = vector.broadcast %div3A_35 : f32 to vector<512x1xf32>
    %div3A_37 = arith.divf %broadcast_in_dim3A_34, %div3A_36 : vector<512x1xf32>
    %sub3A_38 = vector.broadcast %div3A_29 : vector<512x1xf32> to vector<512x1024xf32>
    %sub3A_39 = arith.subf %add3A_18, %sub3A_38 : vector<512x1024xf32>
    %add3A_40 = arith.constant 9.99999974E-6 : f32
    %add3A_41 = vector.broadcast %add3A_40 : f32 to vector<512x1xf32>
    %add3A_42 = arith.addf %div3A_37, %add3A_41 : vector<512x1xf32>
    %sqrt3A = math.sqrt %add3A_42 : vector<512x1xf32>
    %div3A_43 = vector.broadcast %sqrt3A : vector<512x1xf32> to vector<512x1024xf32>
    %div3A_44 = arith.divf %sub3A_39, %div3A_43 : vector<512x1024xf32>
    %mul3A_45 = vector.broadcast %get3A_21 : vector<1x1024xf32> to vector<512x1024xf32>
    %mul3A_46 = arith.mulf %div3A_44, %mul3A_45 : vector<512x1024xf32>
    %add3A_47 = vector.broadcast %get3A_24 : vector<1x1024xf32> to vector<512x1024xf32>
    %add3A_48 = arith.addf %mul3A_46, %add3A_47 : vector<512x1024xf32>
    %gt3A = arith.constant 0.000000e+00 : f32
    %gt3A_49 = vector.broadcast %gt3A : f32 to vector<512x1024xf32>
    %gt3A_50 = arith.cmpf ogt, %add3A_48, %gt3A_49 : vector<512x1024xf32>
    %exp3A = math.exp %add3A_48 : vector<512x1024xf32>
    %sub3A_51 = arith.constant 1.000000e+00 : f32
    %sub3A_52 = vector.broadcast %sub3A_51 : f32 to vector<512x1024xf32>
    %sub3A_53 = arith.subf %exp3A, %sub3A_52 : vector<512x1024xf32>
    %select_n3A = arith.select %gt3A_50, %add3A_48, %sub3A_53 : vector<512x1024xi1>, vector<512x1024xf32>
    %convert_element_type3A_54 = arith.truncf %select_n3A : vector<512x1024xf32> to vector<512x1024xbf16>
    %get3A_55 = arith.constant 0 : index
    %get3A_56 = arith.constant 0 : index
    %get3A_57 = vector.load %arg7[%get3A_55, %get3A_56] : memref<1024x2048xbf16, #tpu.memory_space<vmem>>, vector<1024x2048xbf16>
    %dot_general3A_58 = arith.constant dense<0.000000e+00> : vector<512x2048xf32>
    %dot_general3A_59 = tpu.matmul %convert_element_type3A_54, %get3A_57, %dot_general3A_58 {dimension_numbers = #tpu.dot_dimension_numbers<[1], [0], [0], [1], [0, 0, 1, 1], [], []>, transpose_lhs_hint = false} : vector<512x1024xbf16>, vector<1024x2048xbf16>, vector<512x2048xf32> -> vector<512x2048xf32>
    %get3A_60 = arith.constant 0 : index
    %get3A_61 = arith.constant 0 : index
    %get3A_62 = vector.load %arg8[%get3A_60, %get3A_61] : memref<1x2048xf32, #tpu.memory_space<vmem>>, vector<1x2048xf32>
    %add3A_63 = vector.broadcast %get3A_62 : vector<1x2048xf32> to vector<512x2048xf32>
    %add3A_64 = arith.addf %dot_general3A_59, %add3A_63 : vector<512x2048xf32>
    %get3A_65 = arith.constant 0 : index
    %get3A_66 = arith.constant 0 : index
    %get3A_67 = vector.load %arg9[%get3A_65, %get3A_66] : memref<1x2048xf32, #tpu.memory_space<vmem>>, vector<1x2048xf32>
    %get3A_68 = arith.constant 0 : index
    %get3A_69 = arith.constant 0 : index
    %get3A_70 = vector.load %arg10[%get3A_68, %get3A_69] : memref<1x2048xf32, #tpu.memory_space<vmem>>, vector<1x2048xf32>
    %reduce_sum3A_71 = arith.constant dense<0.000000e+00> : vector<512xf32>
    %reduce_sum3A_72 = vector.multi_reduction <add>, %add3A_64, %reduce_sum3A_71 [1] : vector<512x2048xf32> to vector<512xf32>
    %broadcast_in_dim3A_73 = vector.shape_cast %reduce_sum3A_72 : vector<512xf32> to vector<512x1xf32>
    %div3A_74 = arith.constant 2.048000e+03 : f32
    %div3A_75 = vector.broadcast %div3A_74 : f32 to vector<512x1xf32>
    %div3A_76 = arith.divf %broadcast_in_dim3A_73, %div3A_75 : vector<512x1xf32>
    %sub3A_77 = vector.broadcast %div3A_76 : vector<512x1xf32> to vector<512x2048xf32>
    %sub3A_78 = arith.subf %add3A_64, %sub3A_77 : vector<512x2048xf32>
    %integer_pow3A_79 = arith.mulf %sub3A_78, %sub3A_78 : vector<512x2048xf32>
    %reduce_sum3A_80 = arith.constant dense<0.000000e+00> : vector<512xf32>
    %reduce_sum3A_81 = vector.multi_reduction <add>, %integer_pow3A_79, %reduce_sum3A_80 [1] : vector<512x2048xf32> to vector<512xf32>
    %broadcast_in_dim3A_82 = vector.shape_cast %reduce_sum3A_81 : vector<512xf32> to vector<512x1xf32>
    %div3A_83 = arith.constant 2.048000e+03 : f32
    %div3A_84 = vector.broadcast %div3A_83 : f32 to vector<512x1xf32>
    %div3A_85 = arith.divf %broadcast_in_dim3A_82, %div3A_84 : vector<512x1xf32>
    %sub3A_86 = vector.broadcast %div3A_76 : vector<512x1xf32> to vector<512x2048xf32>
    %sub3A_87 = arith.subf %add3A_64, %sub3A_86 : vector<512x2048xf32>
    %add3A_88 = arith.constant 9.99999974E-6 : f32
    %add3A_89 = vector.broadcast %add3A_88 : f32 to vector<512x1xf32>
    %add3A_90 = arith.addf %div3A_85, %add3A_89 : vector<512x1xf32>
    %sqrt3A_91 = math.sqrt %add3A_90 : vector<512x1xf32>
    %div3A_92 = vector.broadcast %sqrt3A_91 : vector<512x1xf32> to vector<512x2048xf32>
    %div3A_93 = arith.divf %sub3A_87, %div3A_92 : vector<512x2048xf32>
    %mul3A_94 = vector.broadcast %get3A_67 : vector<1x2048xf32> to vector<512x2048xf32>
    %mul3A_95 = arith.mulf %div3A_93, %mul3A_94 : vector<512x2048xf32>
    %add3A_96 = vector.broadcast %get3A_70 : vector<1x2048xf32> to vector<512x2048xf32>
    %add3A_97 = arith.addf %mul3A_95, %add3A_96 : vector<512x2048xf32>
    %gt3A_98 = arith.constant 0.000000e+00 : f32
    %gt3A_99 = vector.broadcast %gt3A_98 : f32 to vector<512x2048xf32>
    %gt3A_100 = arith.cmpf ogt, %add3A_97, %gt3A_99 : vector<512x2048xf32>
    %exp3A_101 = math.exp %add3A_97 : vector<512x2048xf32>
    %sub3A_102 = arith.constant 1.000000e+00 : f32
    %sub3A_103 = vector.broadcast %sub3A_102 : f32 to vector<512x2048xf32>
    %sub3A_104 = arith.subf %exp3A_101, %sub3A_103 : vector<512x2048xf32>
    %select_n3A_105 = arith.select %gt3A_100, %add3A_97, %sub3A_104 : vector<512x2048xi1>, vector<512x2048xf32>
    %convert_element_type3A_106 = arith.truncf %select_n3A_105 : vector<512x2048xf32> to vector<512x2048xbf16>
    %get3A_107 = arith.constant 0 : index
    %get3A_108 = arith.constant 0 : index
    %get3A_109 = vector.load %arg11[%get3A_107, %get3A_108] : memref<2048x768xbf16, #tpu.memory_space<vmem>>, vector<2048x768xbf16>
    %dot_general3A_110 = arith.constant dense<0.000000e+00> : vector<512x768xf32>
    %dot_general3A_111 = tpu.matmul %convert_element_type3A_106, %get3A_109, %dot_general3A_110 {dimension_numbers = #tpu.dot_dimension_numbers<[1], [0], [0], [1], [0, 0, 1, 1], [], []>, transpose_lhs_hint = false} : vector<512x2048xbf16>, vector<2048x768xbf16>, vector<512x768xf32> -> vector<512x768xf32>
    %get3A_112 = arith.constant 0 : index
    %get3A_113 = arith.constant 0 : index
    %get3A_114 = vector.load %arg12[%get3A_112, %get3A_113] : memref<1x768xf32, #tpu.memory_space<vmem>>, vector<1x768xf32>
    %add3A_115 = vector.broadcast %get3A_114 : vector<1x768xf32> to vector<512x768xf32>
    %add3A_116 = arith.addf %dot_general3A_111, %add3A_115 : vector<512x768xf32>
    %swap3A = arith.constant 0 : index
    %swap3A_117 = arith.constant 0 : index
    %swap3A_118 = vector.load %arg13[%swap3A, %swap3A_117] : memref<1024x768xf32, #tpu.memory_space<vmem>>, vector<512x768xf32>
    tpu.vector_store %arg13[%swap3A, %swap3A_117], %add3A_116 {strides = array<i32>} : memref<1024x768xf32, #tpu.memory_space<vmem>>, vector<512x768xf32>,
    %get3A_119 = arith.constant 512 : index
    %get3A_120 = arith.constant 0 : index
    %get3A_121 = vector.load %arg1[%get3A_119, %get3A_120] : memref<1024x256xf32, #tpu.memory_space<vmem>>, vector<512x256xf32>
    %get3A_122 = arith.constant 512 : index
    %get3A_123 = arith.constant 0 : index
    %get3A_124 = vector.load %arg2[%get3A_122, %get3A_123] : memref<1024x256xf32, #tpu.memory_space<vmem>>, vector<512x256xf32>
    %sub3A_125 = arith.subf %get3A_121, %get3A_124 : vector<512x256xf32>
    %mul3A_126 = arith.mulf %sub3A_125, %sub3A_125 : vector<512x256xf32>
    %reduce_sum3A_127 = arith.constant dense<0.000000e+00> : vector<512xf32>
    %reduce_sum3A_128 = vector.multi_reduction <add>, %mul3A_126, %reduce_sum3A_127 [1] : vector<512x256xf32> to vector<512xf32>
    %broadcast_in_dim3A_129 = vector.shape_cast %reduce_sum3A_128 : vector<512xf32> to vector<512x1xf32>
    %reduce_sum3A_130 = arith.constant dense<0.000000e+00> : vector<1xf32>
    %reduce_sum3A_131 = vector.multi_reduction <add>, %broadcast_in_dim3A_129, %reduce_sum3A_130 [0] : vector<512x1xf32> to vector<1xf32>
    %broadcast_in_dim3A_132 = vector.shape_cast %reduce_sum3A_131 : vector<1xf32> to vector<1x1xf32>
    %sub3A_133 = arith.subf %get3A_124, %get3A_121 : vector<512x256xf32>
    %add3A_134 = arith.addf %get3A_121, %sub3A_133 : vector<512x256xf32>
    %convert_element_type3A_135 = arith.truncf %add3A_134 : vector<512x256xf32> to vector<512x256xbf16>
    %get3A_136 = arith.constant 0 : index
    %get3A_137 = arith.constant 0 : index
    %get3A_138 = vector.load %arg3[%get3A_136, %get3A_137] : memref<256x1024xbf16, #tpu.memory_space<vmem>>, vector<256x1024xbf16>
    %dot_general3A_139 = arith.constant dense<0.000000e+00> : vector<512x1024xf32>
    %dot_general3A_140 = tpu.matmul %convert_element_type3A_135, %get3A_138, %dot_general3A_139 {dimension_numbers = #tpu.dot_dimension_numbers<[1], [0], [0], [1], [0, 0, 1, 1], [], []>, transpose_lhs_hint = false} : vector<512x256xbf16>, vector<256x1024xbf16>, vector<512x1024xf32> -> vector<512x1024xf32>
    %get3A_141 = arith.constant 0 : index
    %get3A_142 = arith.constant 0 : index
    %get3A_143 = vector.load %arg4[%get3A_141, %get3A_142] : memref<1x1024xf32, #tpu.memory_space<vmem>>, vector<1x1024xf32>
    %add3A_144 = vector.broadcast %get3A_143 : vector<1x1024xf32> to vector<512x1024xf32>
    %add3A_145 = arith.addf %dot_general3A_140, %add3A_144 : vector<512x1024xf32>
    %get3A_146 = arith.constant 0 : index
    %get3A_147 = arith.constant 0 : index
    %get3A_148 = vector.load %arg5[%get3A_146, %get3A_147] : memref<1x1024xf32, #tpu.memory_space<vmem>>, vector<1x1024xf32>
    %get3A_149 = arith.constant 0 : index
    %get3A_150 = arith.constant 0 : index
    %get3A_151 = vector.load %arg6[%get3A_149, %get3A_150] : memref<1x1024xf32, #tpu.memory_space<vmem>>, vector<1x1024xf32>
    %reduce_sum3A_152 = arith.constant dense<0.000000e+00> : vector<512xf32>
    %reduce_sum3A_153 = vector.multi_reduction <add>, %add3A_145, %reduce_sum3A_152 [1] : vector<512x1024xf32> to vector<512xf32>
    %broadcast_in_dim3A_154 = vector.shape_cast %reduce_sum3A_153 : vector<512xf32> to vector<512x1xf32>
    %div3A_155 = arith.constant 1.024000e+03 : f32
    %div3A_156 = vector.broadcast %div3A_155 : f32 to vector<512x1xf32>
    %div3A_157 = arith.divf %broadcast_in_dim3A_154, %div3A_156 : vector<512x1xf32>
    %sub3A_158 = vector.broadcast %div3A_157 : vector<512x1xf32> to vector<512x1024xf32>
    %sub3A_159 = arith.subf %add3A_145, %sub3A_158 : vector<512x1024xf32>
    %integer_pow3A_160 = arith.mulf %sub3A_159, %sub3A_159 : vector<512x1024xf32>
    %reduce_sum3A_161 = arith.constant dense<0.000000e+00> : vector<512xf32>
    %reduce_sum3A_162 = vector.multi_reduction <add>, %integer_pow3A_160, %reduce_sum3A_161 [1] : vector<512x1024xf32> to vector<512xf32>
    %broadcast_in_dim3A_163 = vector.shape_cast %reduce_sum3A_162 : vector<512xf32> to vector<512x1xf32>
    %div3A_164 = arith.constant 1.024000e+03 : f32
    %div3A_165 = vector.broadcast %div3A_164 : f32 to vector<512x1xf32>
    %div3A_166 = arith.divf %broadcast_in_dim3A_163, %div3A_165 : vector<512x1xf32>
    %sub3A_167 = vector.broadcast %div3A_157 : vector<512x1xf32> to vector<512x1024xf32>
    %sub3A_168 = arith.subf %add3A_145, %sub3A_167 : vector<512x1024xf32>
    %add3A_169 = arith.constant 9.99999974E-6 : f32
    %add3A_170 = vector.broadcast %add3A_169 : f32 to vector<512x1xf32>
    %add3A_171 = arith.addf %div3A_166, %add3A_170 : vector<512x1xf32>
    %sqrt3A_172 = math.sqrt %add3A_171 : vector<512x1xf32>
    %div3A_173 = vector.broadcast %sqrt3A_172 : vector<512x1xf32> to vector<512x1024xf32>
    %div3A_174 = arith.divf %sub3A_168, %div3A_173 : vector<512x1024xf32>
    %mul3A_175 = vector.broadcast %get3A_148 : vector<1x1024xf32> to vector<512x1024xf32>
    %mul3A_176 = arith.mulf %div3A_174, %mul3A_175 : vector<512x1024xf32>
    %add3A_177 = vector.broadcast %get3A_151 : vector<1x1024xf32> to vector<512x1024xf32>
    %add3A_178 = arith.addf %mul3A_176, %add3A_177 : vector<512x1024xf32>
    %gt3A_179 = arith.constant 0.000000e+00 : f32
    %gt3A_180 = vector.broadcast %gt3A_179 : f32 to vector<512x1024xf32>
    %gt3A_181 = arith.cmpf ogt, %add3A_178, %gt3A_180 : vector<512x1024xf32>
    %exp3A_182 = math.exp %add3A_178 : vector<512x1024xf32>
    %sub3A_183 = arith.constant 1.000000e+00 : f32
    %sub3A_184 = vector.broadcast %sub3A_183 : f32 to vector<512x1024xf32>
    %sub3A_185 = arith.subf %exp3A_182, %sub3A_184 : vector<512x1024xf32>
    %select_n3A_186 = arith.select %gt3A_181, %add3A_178, %sub3A_185 : vector<512x1024xi1>, vector<512x1024xf32>
    %convert_element_type3A_187 = arith.truncf %select_n3A_186 : vector<512x1024xf32> to vector<512x1024xbf16>
    %get3A_188 = arith.constant 0 : index
    %get3A_189 = arith.constant 0 : index
    %get3A_190 = vector.load %arg7[%get3A_188, %get3A_189] : memref<1024x2048xbf16, #tpu.memory_space<vmem>>, vector<1024x2048xbf16>
    %dot_general3A_191 = arith.constant dense<0.000000e+00> : vector<512x2048xf32>
    %dot_general3A_192 = tpu.matmul %convert_element_type3A_187, %get3A_190, %dot_general3A_191 {dimension_numbers = #tpu.dot_dimension_numbers<[1], [0], [0], [1], [0, 0, 1, 1], [], []>, transpose_lhs_hint = false} : vector<512x1024xbf16>, vector<1024x2048xbf16>, vector<512x2048xf32> -> vector<512x2048xf32>
    %get3A_193 = arith.constant 0 : index
    %get3A_194 = arith.constant 0 : index
    %get3A_195 = vector.load %arg8[%get3A_193, %get3A_194] : memref<1x2048xf32, #tpu.memory_space<vmem>>, vector<1x2048xf32>
    %add3A_196 = vector.broadcast %get3A_195 : vector<1x2048xf32> to vector<512x2048xf32>
    %add3A_197 = arith.addf %dot_general3A_192, %add3A_196 : vector<512x2048xf32>
    %get3A_198 = arith.constant 0 : index
    %get3A_199 = arith.constant 0 : index
    %get3A_200 = vector.load %arg9[%get3A_198, %get3A_199] : memref<1x2048xf32, #tpu.memory_space<vmem>>, vector<1x2048xf32>
    %get3A_201 = arith.constant 0 : index
    %get3A_202 = arith.constant 0 : index
    %get3A_203 = vector.load %arg10[%get3A_201, %get3A_202] : memref<1x2048xf32, #tpu.memory_space<vmem>>, vector<1x2048xf32>
    %reduce_sum3A_204 = arith.constant dense<0.000000e+00> : vector<512xf32>
    %reduce_sum3A_205 = vector.multi_reduction <add>, %add3A_197, %reduce_sum3A_204 [1] : vector<512x2048xf32> to vector<512xf32>
    %broadcast_in_dim3A_206 = vector.shape_cast %reduce_sum3A_205 : vector<512xf32> to vector<512x1xf32>
    %div3A_207 = arith.constant 2.048000e+03 : f32
    %div3A_208 = vector.broadcast %div3A_207 : f32 to vector<512x1xf32>
    %div3A_209 = arith.divf %broadcast_in_dim3A_206, %div3A_208 : vector<512x1xf32>
    %sub3A_210 = vector.broadcast %div3A_209 : vector<512x1xf32> to vector<512x2048xf32>
    %sub3A_211 = arith.subf %add3A_197, %sub3A_210 : vector<512x2048xf32>
    %integer_pow3A_212 = arith.mulf %sub3A_211, %sub3A_211 : vector<512x2048xf32>
    %reduce_sum3A_213 = arith.constant dense<0.000000e+00> : vector<512xf32>
    %reduce_sum3A_214 = vector.multi_reduction <add>, %integer_pow3A_212, %reduce_sum3A_213 [1] : vector<512x2048xf32> to vector<512xf32>
    %broadcast_in_dim3A_215 = vector.shape_cast %reduce_sum3A_214 : vector<512xf32> to vector<512x1xf32>
    %div3A_216 = arith.constant 2.048000e+03 : f32
    %div3A_217 = vector.broadcast %div3A_216 : f32 to vector<512x1xf32>
    %div3A_218 = arith.divf %broadcast_in_dim3A_215, %div3A_217 : vector<512x1xf32>
    %sub3A_219 = vector.broadcast %div3A_209 : vector<512x1xf32> to vector<512x2048xf32>
    %sub3A_220 = arith.subf %add3A_197, %sub3A_219 : vector<512x2048xf32>
    %add3A_221 = arith.constant 9.99999974E-6 : f32
    %add3A_222 = vector.broadcast %add3A_221 : f32 to vector<512x1xf32>
    %add3A_223 = arith.addf %div3A_218, %add3A_222 : vector<512x1xf32>
    %sqrt3A_224 = math.sqrt %add3A_223 : vector<512x1xf32>
    %div3A_225 = vector.broadcast %sqrt3A_224 : vector<512x1xf32> to vector<512x2048xf32>
    %div3A_226 = arith.divf %sub3A_220, %div3A_225 : vector<512x2048xf32>
    %mul3A_227 = vector.broadcast %get3A_200 : vector<1x2048xf32> to vector<512x2048xf32>
    %mul3A_228 = arith.mulf %div3A_226, %mul3A_227 : vector<512x2048xf32>
    %add3A_229 = vector.broadcast %get3A_203 : vector<1x2048xf32> to vector<512x2048xf32>
    %add3A_230 = arith.addf %mul3A_228, %add3A_229 : vector<512x2048xf32>
    %gt3A_231 = arith.constant 0.000000e+00 : f32
    %gt3A_232 = vector.broadcast %gt3A_231 : f32 to vector<512x2048xf32>
    %gt3A_233 = arith.cmpf ogt, %add3A_230, %gt3A_232 : vector<512x2048xf32>
    %exp3A_234 = math.exp %add3A_230 : vector<512x2048xf32>
    %sub3A_235 = arith.constant 1.000000e+00 : f32
    %sub3A_236 = vector.broadcast %sub3A_235 : f32 to vector<512x2048xf32>
    %sub3A_237 = arith.subf %exp3A_234, %sub3A_236 : vector<512x2048xf32>
    %select_n3A_238 = arith.select %gt3A_233, %add3A_230, %sub3A_237 : vector<512x2048xi1>, vector<512x2048xf32>
    %convert_element_type3A_239 = arith.truncf %select_n3A_238 : vector<512x2048xf32> to vector<512x2048xbf16>
    %get3A_240 = arith.constant 0 : index
    %get3A_241 = arith.constant 0 : index
    %get3A_242 = vector.load %arg11[%get3A_240, %get3A_241] : memref<2048x768xbf16, #tpu.memory_space<vmem>>, vector<2048x768xbf16>
    %dot_general3A_243 = arith.constant dense<0.000000e+00> : vector<512x768xf32>
    %dot_general3A_244 = tpu.matmul %convert_element_type3A_239, %get3A_242, %dot_general3A_243 {dimension_numbers = #tpu.dot_dimension_numbers<[1], [0], [0], [1], [0, 0, 1, 1], [], []>, transpose_lhs_hint = false} : vector<512x2048xbf16>, vector<2048x768xbf16>, vector<512x768xf32> -> vector<512x768xf32>
    %get3A_245 = arith.constant 0 : index
    %get3A_246 = arith.constant 0 : index
    %get3A_247 = vector.load %arg12[%get3A_245, %get3A_246] : memref<1x768xf32, #tpu.memory_space<vmem>>, vector<1x768xf32>
    %add3A_248 = vector.broadcast %get3A_247 : vector<1x768xf32> to vector<512x768xf32>
    %add3A_249 = arith.addf %dot_general3A_244, %add3A_248 : vector<512x768xf32>
    %swap3A_250 = arith.constant 512 : index
    %swap3A_251 = arith.constant 0 : index
    %swap3A_252 = vector.load %arg13[%swap3A_250, %swap3A_251] : memref<1024x768xf32, #tpu.memory_space<vmem>>, vector<512x768xf32>
    tpu.vector_store %arg13[%swap3A_250, %swap3A_251], %add3A_249 {strides = array<i32>} : memref<1024x768xf32, #tpu.memory_space<vmem>>, vector<512x768xf32>,
    %add3A_253 = arith.addf %broadcast_in_dim3A_8, %broadcast_in_dim3A_132 : vector<1x1xf32>
    %eq3A = arith.constant 0 : i32
    %eq3A_254 = arith.cmpi eq, %arg0, %eq3A : i32
    %convert_element_type3A_255 = arith.extui %eq3A_254 : i1 to i32
    %cond3A = arith.constant 0 : i32
    %cond3A_256 = arith.cmpi ne, %convert_element_type3A_255, %cond3A : i32
    scf.if %cond3A_256 {
      %swap3A_261 = arith.constant 0 : index
      %swap3A_262 = arith.constant 0 : index
      %swap3A_263 = vector.load %arg14[%swap3A_261, %swap3A_262] : memref<1x1xf32, #tpu.memory_space<vmem>>, vector<1x1xf32>
      tpu.vector_store %arg14[%swap3A_261, %swap3A_262], %add3A_253 {strides = array<i32>} : memref<1x1xf32, #tpu.memory_space<vmem>>, vector<1x1xf32>,
    } else {
    }
    %ne3A = arith.constant 0 : i32
    %ne3A_257 = arith.cmpi ne, %arg0, %ne3A : i32
    %convert_element_type3A_258 = arith.extui %ne3A_257 : i1 to i32
    %cond3A_259 = arith.constant 0 : i32
    %cond3A_260 = arith.cmpi ne, %convert_element_type3A_258, %cond3A_259 : i32
    scf.if %cond3A_260 {
      %get3A_261 = arith.constant 0 : index
      %get3A_262 = arith.constant 0 : index
      %get3A_263 = vector.load %arg14[%get3A_261, %get3A_262] : memref<1x1xf32, #tpu.memory_space<vmem>>, vector<1x1xf32>
      %add3A_264 = arith.addf %get3A_263, %add3A_253 : vector<1x1xf32>
      %swap3A_265 = arith.constant 0 : index
      %swap3A_266 = arith.constant 0 : index
      %swap3A_267 = vector.load %arg14[%swap3A_265, %swap3A_266] : memref<1x1xf32, #tpu.memory_space<vmem>>, vector<1x1xf32>
      tpu.vector_store %arg14[%swap3A_265, %swap3A_266], %add3A_264 {strides = array<i32>} : memref<1x1xf32, #tpu.memory_space<vmem>>, vector<1x1xf32>,
    } else {
    }
    return
  }
  func.func @transform_0(%arg0: i32) -> (i32, i32) {
    %c0_i32 = arith.constant 0 : i32
    %c0_i32_0 = arith.constant 0 : i32
    return %arg0, %c0_i32 : i32, i32
  }
  func.func @transform_1(%arg0: i32) -> (i32, i32) {
    %c0_i32 = arith.constant 0 : i32
    %c0_i32_0 = arith.constant 0 : i32
    return %arg0, %c0_i32 : i32, i32
  }
  func.func @transform_2(%arg0: i32) -> (i32, i32) {
    %c0_i32 = arith.constant 0 : i32
    %c0_i32_0 = arith.constant 0 : i32
    %c0_i32_1 = arith.constant 0 : i32
    return %c0_i32, %c0_i32_0 : i32, i32
  }
  func.func @transform_3(%arg0: i32) -> (i32, i32) {
    %c0_i32 = arith.constant 0 : i32
    %c0_i32_0 = arith.constant 0 : i32
    %c0_i32_1 = arith.constant 0 : i32
    return %c0_i32, %c0_i32_0 : i32, i32
  }
  func.func @transform_4(%arg0: i32) -> (i32, i32) {
    %c0_i32 = arith.constant 0 : i32
    %c0_i32_0 = arith.constant 0 : i32
    %c0_i32_1 = arith.constant 0 : i32
    return %c0_i32, %c0_i32_0 : i32, i32
  }
  func.func @transform_5(%arg0: i32) -> (i32, i32) {
    %c0_i32 = arith.constant 0 : i32
    %c0_i32_0 = arith.constant 0 : i32
    %c0_i32_1 = arith.constant 0 : i32
    return %c0_i32, %c0_i32_0 : i32, i32
  }
  func.func @transform_6(%arg0: i32) -> (i32, i32) {
    %c0_i32 = arith.constant 0 : i32
    %c0_i32_0 = arith.constant 0 : i32
    %c0_i32_1 = arith.constant 0 : i32
    return %c0_i32, %c0_i32_0 : i32, i32
  }
  func.func @transform_7(%arg0: i32) -> (i32, i32) {
    %c0_i32 = arith.constant 0 : i32
    %c0_i32_0 = arith.constant 0 : i32
    %c0_i32_1 = arith.constant 0 : i32
    return %c0_i32, %c0_i32_0 : i32, i32
  }
  func.func @transform_8(%arg0: i32) -> (i32, i32) {
    %c0_i32 = arith.constant 0 : i32
    %c0_i32_0 = arith.constant 0 : i32
    %c0_i32_1 = arith.constant 0 : i32
    return %c0_i32, %c0_i32_0 : i32, i32
  }
  func.func @transform_9(%arg0: i32) -> (i32, i32) {
    %c0_i32 = arith.constant 0 : i32
    %c0_i32_0 = arith.constant 0 : i32
    %c0_i32_1 = arith.constant 0 : i32
    return %c0_i32, %c0_i32_0 : i32, i32
  }
  func.func @transform_10(%arg0: i32) -> (i32, i32) {
    %c0_i32 = arith.constant 0 : i32
    %c0_i32_0 = arith.constant 0 : i32
    %c0_i32_1 = arith.constant 0 : i32
    return %c0_i32, %c0_i32_0 : i32, i32
  }
  func.func @transform_11(%arg0: i32) -> (i32, i32) {
    %c0_i32 = arith.constant 0 : i32
    %c0_i32_0 = arith.constant 0 : i32
    %c0_i32_1 = arith.constant 0 : i32
    return %c0_i32, %c0_i32_0 : i32, i32
  }
  func.func @transform_12(%arg0: i32) -> (i32, i32) {
    %c0_i32 = arith.constant 0 : i32
    %c0_i32_0 = arith.constant 0 : i32
    return %arg0, %c0_i32 : i32, i32
  }
  func.func @transform_13(%arg0: i32) -> (i32, i32) {
    %c0_i32 = arith.constant 0 : i32
    %c0_i32_0 = arith.constant 0 : i32
    %c0_i32_1 = arith.constant 0 : i32
    return %c0_i32, %c0_i32_0 : i32, i32
  }
}

</mosaic_0001>

<sc_bundles>
// kernel: kernel.5.cloned.1.call-start
scs
__scs_entry_jumppad:
0x0: {  	(pc) =	sbr.rel $0x88, $3  }
0x1: {  	(tag) =	ssettag $0x0;
	lr =	simm.s32 $0x1  }
0x2: {  	[smem:$0x3F8B] =	sst lr;
	_ =	strace $0xD0000000  }
0x3: {  	_ = 	snop  }
0x4: {  	_ = 	snop  }
0x5: {  	_ = 	snop  }
0x6: {  	_ = 	snop  }
0x7: {  	_ = 	snop  }
__scs_overlays_trampoline_lowered:
0x8: {  	[smem:$0x3F9A] =	sst s0  }
0x9: {  	[smem:$0x3F9B] =	sst s1  }
0xa: {  	[smem:$0x3F9C] =	sst s2  }
0xb: {  	[smem:$0x3F9D] =	sst s3  }
0xc: {  	[smem:$0x3F9E] =	sst s4  }
0xd: {  	[smem:$0x3F9F] =	sst s5  }
0xe: {  	[smem:$0x3FA0] =	sst s6  }
0xf: {  	[smem:$0x3FA1] =	sst s7  }
0x10: {  	[smem:$0x3FA2] =	sst s8  }
0x11: {  	[smem:$0x3FA3] =	sst s9;
	s0 =	simm.s32 @!p0 $0x0  }
0x12: {  	s1 =	sld [smem:$0x3F89];
	s0 =	simm.s32 @p0 $0x1  }
0x13: {  	[smem:$0x3FA4] =	sst s0;
	s0 =	simm.s32 @!p1 $0x0  }
0x14: {  	s2 =	sld [smem:$0x3F88];
	s0 =	simm.s32 @p1 $0x1  }
0x15: {  	[smem:$0x3FA5] =	sst s0;
	s0 =	simm.s32 @!p2 $0x0  }
0x16: {  	s3 =	sld [smem:$0x3FDB];
	s0 =	simm.s32 @p2 $0x1  }
0x17: {  	s4 =	simm.s32 $0x1BF5;
	[smem:$0x3FA7] =	sst s0  }
0x18: {  	s0 =	sld [smem:$0x3F8A];
	_ =	swait.ge [sflag:s4], $0x0  }
0x19: {  	s7 =	sld [smem:$0x3F8B]  }
0x1a: {  	s8 =	sadd.s32 $0xFFFFE003, lr  }
0x1b: {  	s9 =	sadd.s32 $0xFFFFFEF7, lr;
	s5 =	simm.s32 $0xFFFFFFFF;
	p2 =	slt.u32 s8, $0xFFFFF086  }
0x1c: {  	p1 =	slt.u32 s9, $0xF7A;
	s5 =	simm.s32 @!p2 $0x0  }
0x1d: {  	s5 =	simm.s32 @p1 $0x1;
	p0 =	seq.s32 s7, s2  }
0x1e: {  	s7 =	smul.u32 @!p0 $0xF7A, s2;
	p2 =	seq.s32 @!p0 s5, $0x0  }
0x1f: {  	s9 =	smul.u32 $0xF7A, s1;
	s8 =	simm.s32 @!p0 $0x1BF5;
	p2 =	por !p2, p0  }
0x20: {  	[sflag:s8] =	ssyncset.s32 @!p0 $0xFFFFF086;
	s6 =	sadd.s32 @!p0 s3, s7;
	s7 =	simm.s32 @!p0 $0x108  }
0x21: {  	s3 =	sadd.s32 s3, s9;
	s6 =	sadd.s32 @!p0 $0x88, s6;
	s7 =	simm.s32 @p2 $0x1082  }
0x22: {  	[simem:s7], [sflag:s8] =	dma.local @!p0 [hbm:s6], $0xF7A  }
0x23: {  	s9 =	sor.u32 $0xD0000000, s2;
	s6 =	simm.s32 $0x108;
	_ =	swait.ge @!p0 [sflag:s8], $0x0  }
0x24: {  	s3 =	sadd.s32 $0x88, s3;
	s6 =	simm.s32 @!p1 $0x1082;
	[sflag:s4] =	ssyncset.s32 $0xFFFFF086  }
0x25: {  	[simem:s6], [sflag:s4] =	dma.local [hbm:s3], $0xF7A  }
0x26: {  	[smem:$0x3F8B] =	sst s1;
	(tag) =	ssettag s2;
	_ =	strace s9  }
0x27: {  	s1 =	sld [smem:$0x3F9B]  }
0x28: {  	s2 =	sld [smem:$0x3F9C]  }
0x29: {  	s4 =	sld [smem:$0x3F9E]  }
0x2a: {  	p0 =	seq.s32 s5, $0x0;
	s5 =	sld [smem:$0x3F9F]  }
0x2b: {  	s6 =	sld [smem:$0x3FA0]  }
0x2c: {  	s7 =	sld [smem:$0x3FA1]  }
0x2d: {  	s3 =	simm.s32 $0x108;
	s8 =	sld [smem:$0x3FA2]  }
0x2e: {  	s3 =	simm.s32 @!p0 $0x1082;
	s9 =	sld [smem:$0x3FA3]  }
0x2f: {  	lr =	sadd.s32 s0, s3;
	s0 =	sld [smem:$0x3F9A]  }
0x30: {  	s3 =	sld [smem:$0x3F9D]  }
0x31: {  	[smem:$0x3FA6] =	sst s10  }
0x32: {  	s10 =	sld [smem:$0x3FA4];
	_ =	sdelay $0x3  }
0x33: {  	p0 =	seq.s32 s10, $0x1;
	s10 =	sld [smem:$0x3FA6];
	_ =	sdelay $0x3  }
0x34: {  	[smem:$0x3FA6] =	sst s10  }
0x35: {  	s10 =	sld [smem:$0x3FA5];
	_ =	sdelay $0x3  }
0x36: {  	p1 =	seq.s32 s10, $0x1;
	s10 =	sld [smem:$0x3FA6];
	_ =	sdelay $0x3  }
0x37: {  	[smem:$0x3FA6] =	sst s10  }
0x38: {  	s10 =	sld [smem:$0x3FA7]  }
0x39: {  	_ = 	snop;
	(pc) =	sbr.ind lr, $3  }
0x3a: {  	_ = 	snop  }
0x3b: {  	_ = 	snop  }
0x3c: {  	p2 =	seq.s32 s10, $0x1;
	s10 =	sld [smem:$0x3FA6]  }
0x3d: {  	_ =	shalt  }
0x3e: {  	_ =	shalt  }
0x3f: {  	_ =	shalt  }
0x40: {  	_ =	shalt  }
0x41: {  	_ =	shalt  }
0x42: {  	_ =	shalt  }
0x43: {  	_ =	shalt  }
0x44: {  	_ =	shalt  }
0x45: {  	_ =	shalt  }
0x46: {  	_ =	shalt  }
0x47: {  	_ =	shalt  }
0x48: {  	_ =	shalt  }
0x49: {  	_ =	shalt  }
0x4a: {  	_ =	shalt  }
0x4b: {  	_ =	shalt  }
0x4c: {  	_ =	shalt  }
0x4d: {  	_ =	shalt  }
0x4e: {  	_ =	shalt  }
0x4f: {  	_ =	shalt  }
0x50: {  	_ =	shalt  }
0x51: {  	_ =	shalt  }
0x52: {  	_ =	shalt  }
0x53: {  	_ =	shalt  }
0x54: {  	_ =	shalt  }
0x55: {  	_ =	shalt  }
0x56: {  	_ =	shalt  }
0x57: {  	_ =	shalt  }
0x58: {  	_ =	shalt  }
0x59: {  	_ =	shalt  }
0x5a: {  	_ =	shalt  }
0x5b: {  	_ =	shalt  }
0x5c: {  	_ =	shalt  }
0x5d: {  	_ =	shalt  }
0x5e: {  	_ =	shalt  }
0x5f: {  	_ =	shalt  }
0x60: {  	_ =	shalt  }
0x61: {  	_ =	shalt  }
0x62: {  	_ =	shalt  }
0x63: {  	_ =	shalt  }
0x64: {  	_ =	shalt  }
0x65: {  	_ =	shalt  }
0x66: {  	_ =	shalt  }
0x67: {  	_ =	shalt  }
0x68: {  	_ =	shalt  }
0x69: {  	_ =	shalt  }
0x6a: {  	_ =	shalt  }
0x6b: {  	_ =	shalt  }
0x6c: {  	_ =	shalt  }
0x6d: {  	_ =	shalt  }
0x6e: {  	_ =	shalt  }
0x6f: {  	_ =	shalt  }
0x70: {  	_ =	shalt  }
0x71: {  	_ =	shalt  }
0x72: {  	_ =	shalt  }
0x73: {  	_ =	shalt  }
0x74: {  	_ =	shalt  }
0x75: {  	_ =	shalt  }
0x76: {  	_ =	shalt  }
0x77: {  	_ =	shalt  }
0x78: {  	_ =	shalt  }
0x79: {  	_ =	shalt  }
0x7a: {  	_ =	shalt  }
0x7b: {  	_ =	shalt  }
0x7c: {  	_ =	shalt  }
0x7d: {  	_ =	shalt  }
0x7e: {  	_ =	shalt  }
0x7f: {  	_ =	shalt  }
0x80: {  	_ =	shalt  }
0x81: {  	_ =	shalt  }
0x82: {  	_ =	shalt  }
0x83: {  	_ =	shalt  }
0x84: {  	_ =	shalt  }
0x85: {  	_ =	shalt  }
0x86: {  	_ =	shalt  }
0x87: {  	_ =	shalt  }
.Lfunc_end0:
.L_simem_size_0:
called_computation_lowered:
.L_overlay_start_0:
0x88: {  	s2 =	sld [smem:$0x3FD9]  }
0x89: {  	s3 =	sld [smem:$0x3FFE];
	_ =	sdelay $0x1  }
0x8a: {  	s1 =	srdreg.scid  }
0x8b: {  	s0 =	sand.u32 $0x1, s1  }
0x8c: {  	s14 =	sshll.u32 s0, $0xA;
	s2 =	sadd.s32 s3, s2  }
0x8d: {  	s2 =	sadd.s32 s2, s14  }
0x8e: {  	[smem:$0x3FB2] =	sst s2  }
0x8f: {  	_ = 	snop  }
0x90: {  	s2 =	sld [smem:$0x3FD0];
	_ =	sdelay $0x2  }
0x91: {  	s4 =	simm.s32 $0xA;
	s5 =	simm.s32 $0x10;
	s15 =	sld [smem:$0x3FBE]  }
0x92: {  	[smem:s5], [sflag:s4] =	dma.local [hbm:s2], $0x1  }
0x93: {  	_ =	swait.eq [sflag:s4], $0x1  }
0x94: {  	[sflag:s4] =	ssyncset.done $0x0  }
0x95: {  	[sflag:s4] =	ssyncadd.s32 $0xFFFFFFFF  }
0x96: {  	s16 =	sld [smem:$0x12];
	(tm) =	ssettm $0x1  }
0x97: {  	s17 =	sld [smem:$0x3FFB];
	_ =	sdelay $0x3  }
0x98: {  	_ =	strace s17  }
0x99: {  	s4 =	sld [smem:$0x3FFC];
	_ =	sdelay $0x3  }
0x9a: {  	_ =	strace s4  }
0x9b: {  	s4 =	sld [smem:$0x3FFD];
	_ =	sdelay $0x3  }
0x9c: {  	_ =	strace s4  }
0x9d: {  	_ =	strace $0x8FFFFFFF  }
0x9e: {  	s18 =	sld [smem:$0x3FDB];
	_ =	sdelay $0x1  }
0x9f: {  	s19 =	simm.s32 $_scs_section_size  }
0xa0: {  	s6 =	simm.s32 $_size__tile_overlayer_lowered;
	s7 =	simm.s32 $_tile_overlayer_lowered  }
0xa1: {  	s22 =	simm.s32 $0x1BFF;
	s21 =	sshll.u32 s7, $0x1;
	s4 =	sadd.s32 s19, s18  }
0xa2: {  	s8 =	simm.s32 $0x0;
	s20 =	sshll.u32 s6, $0x1;
	s6 =	sadd.s32 s21, s4  }
0xa3: {  	[timem:s8], [sflag:s22] =	dma.local [hbm:s6], s20  }
0xa4: {  	_ =	swait.ge [sflag:s22], s20  }
0xa5: {  	s5 =	ssub.s32 $0x0, s20;
	[sflag:s22] =	ssyncset.done $0x0  }
0xa6: {  	[sflag:s22] =	ssyncadd.s32 s5;
	_ =	sdelay $0x1  }
0xa7: {  	s23 =	simm.s32 $0x1B8B  }
0xa8: {  	_ =	swait.ge [sflag:s23], $0x1  }
0xa9: {  	[sflag:s23] =	ssyncset.done $0x0  }
0xaa: {  	s25 =	simm.s32 $0x1B8E;
	s24 =	sld [smem:$0x3FFE];
	[sflag:s23] =	ssyncadd.s32 $0xFFFFFFFF  }
0xab: {  	s26 =	simm.s32 $execute0_lowered;
	[smem:$0x3FD2] =	sst s25  }
0xac: {  	s6 =	sshll.u32 s26, $0x1;
	_ =	strace $0x80000046;
	[dreg:$0x1] =	wrdreg $0xFFFFFFFF  }
0xad: {  	s28 =	simm.s32 $_size_execute0_lowered;
	s4 =	sadd.s32 s4, s6;
	[dreg:$0x0] =	wrdreg $0x0  }
0xae: {  	s6 =	sshll.u32 s28, $0x1;
	[dreg:$0x2] =	wrdreg s4  }
0xaf: {  	[dreg:$0x3] =	wrdreg s6  }
0xb0: {  	[dreg:$0x4] =	wrdreg $0xC0  }
0xb1: {  	_ =	task [dreg:s8], $0x5FFFF  }
0xb2: {  	[dreg:$0x1] =	wrdreg $0xFFFFFFFF  }
0xb3: {  	[dreg:$0x0] =	wrdreg $0x60  }
0xb4: {  	[dreg:$0x2] =	wrdreg s15  }
0xb5: {  	[dreg:$0x3] =	wrdreg s16  }
0xb6: {  	[dreg:$0x4] =	wrdreg s24  }
0xb7: {  	[dreg:$0x5] =	wrdreg $0x9  }
0xb8: {  	_ =	task.clear_ibuf [dreg:s8], $0x6FFFF;
	_ =	strace $0x90000046  }
0xb9: {  	s29 =	simm.s32 $0x9;
	_ =	strace $0x80000048  }
0xba: {  	_ =	swait.ge [sflag:s29], $0x1  }
0xbb: {  	[sflag:s29] =	ssyncadd.s32 $0xFFFFFFFF  }
0xbc: {  	_ =	strace $0x90000048  }
0xbd: {  	_ =	sfence  }
0xbe: {  	s30 =	sld [smem:$0x0];
	_ =	sdelay $0x2  }
0xbf: {  	s31 =	sshll.u32 s1, $0xD;
	s1 =	sshrl.u32 s1, $0x2  }
0xc0: {  	s3 =	sand.u32 $0x4000, s31;
	s1 =	sadd.s32 s1, s30  }
0xc1: {  	s0 =	sor.u32 s3, s0;
	s1 =	sshll.u32 s1, $0x11  }
0xc2: {  	s0 =	sor.u32 s1, s0  }
0xc3: {  	s0 =	sadd.s32 $0x8F2B, s0  }
0xc4: {  	[sflag:s0] =	ssyncadd.remote.s32 $0x1  }
0xc5: {  	_ =	sfence.sel $0xFFFF  }
0xc6: {  	[dreg:$0x0] =	wrdreg $0xFFFFFFFF;
	(pc) =	sbr.abs _section_cstart, $3  }
0xc7: {  	[dreg:$0x1] =	wrdreg $0xFFFFFFFF  }
0xc8: {  	_ =	task.clear_ibuf [dreg:s8], $0x2FFFF;
	_ =	strace $0x9FFFFFFF  }
0xc9: {  	(tm) =	ssettm $0x7FFFFFFF  }
tec
execute0_lowered:
.L_overlay_start_1:
0x0: {  	(tag) =	ssettag $0x1  }
0x1: {  	s1 =	rddreg [dreg:$0x0];
	s2 =	srdreg.scid  }
0x2: {  	s4 =	rddreg [dreg:$0x1];
	s0 =	stileid.u32  }
0x3: {  	s5 =	rddreg [dreg:$0x2];
	s3 =	simm.s32 $0x0;
	s18 =	simm.s32 $0x900  }
0x4: {  	s20 =	simm.s32 $0x1100;
	s21 =	simm.s32 $0x1900;
	[smem:$0x7FF] =	sst s3  }
0x5: {  	s22 =	simm.s32 $0x2900;
	_ =	strace $0x80000047;
	[dreg:$0xd] =	wrdreg s18  }
0x6: {  	s23 =	simm.s32 $0x3100;
	s24 =	simm.s32 $0x3900;
	[dreg:$0xe] =	wrdreg s20  }
0x7: {  	s25 =	simm.s32 $0x4900;
	s8 =	simm.s32 $0x4100;
	[dreg:$0xf] =	wrdreg s21  }
0x8: {  	s26 =	simm.s32 $0x5100;
	s28 =	simm.s32 $0xE900;
	[dreg:$0x10] =	wrdreg s22  }
0x9: {  	s29 =	simm.s32 $0xF100;
	s30 =	simm.s32 $0xF900;
	[dreg:$0x11] =	wrdreg s23  }
0xa: {  	s31 =	simm.s32 $0x1;
	s2 =	sand.u32 $0x1, s2;
	[dreg:$0x12] =	wrdreg s24  }
0xb: {  	s6 =	sshll.u32 s0, $0x9;
	s7 =	sshll.u32 s2, $0x8;
	[dreg:$0x13] =	wrdreg s25  }
0xc: {  	s2 =	ssub.s32 $0x2, s2;
	[dreg:$0x14] =	wrdreg s26;
	s18 =	simm.s32 $0xA100  }
0xd: {  	s20 =	simm.s32 $0xB100;
	s21 =	simm.s32 $0xB900;
	s22 =	simm.s32 $0xC100  }
0xe: {  	s23 =	simm.s32 $0xC900;
	s24 =	simm.s32 $0xD100;
	s6 =	sor.u32 s7, s6  }
0xf: {  	s25 =	simm.s32 $0xD900;
	s7 =	sshll.u32 s6, $0x5;
	s6 =	sshrl.u32 s6, $0x3  }
0x10: {  	s26 =	simm.s32 $0xE100;
	s5 =	sadd.s32 s7, s5;
	s4 =	sadd.s32 s4, s6  }
0x11: {  	s19 =	sshrl.u32 s2, $0x1;
	[dreg:$0x4] =	wrdreg s4;
	s10 =	sadd.s32 $0x4200, s5  }
0x12: {  	s2 =	ssub.s32 s2, s19;
	s11 =	sadd.s32 $0x4600, s5;
	[dreg:$0x5] =	wrdreg s10  }
0x13: {  	s19 =	simm.s32 $0xA900;
	s12 =	sadd.s32 $0x4A00, s5;
	[dreg:$0x6] =	wrdreg s11  }
0x14: {  	s6 =	simm.s32 $0x100;
	s13 =	sadd.s32 $0x4E00, s5;
	[dreg:$0x7] =	wrdreg s12  }
0x15: {  	s7 =	simm.s32 $0x2100;
	s14 =	sadd.s32 $0x5200, s5;
	[dreg:$0x8] =	wrdreg s13  }
0x16: {  	s15 =	sadd.s32 $0x5600, s5;
	s16 =	sadd.s32 $0x5A00, s5;
	[dreg:$0x9] =	wrdreg s14  }
0x17: {  	s17 =	sadd.s32 $0x5E00, s5;
	s4 =	smax.u32 s2, $0x1;
	[dreg:$0xa] =	wrdreg s15  }
0x18: {  	s5 =	simm.s32 $0x3;
	s2 =	simm.s32 $0x2;
	[dreg:$0xb] =	wrdreg s16  }
0x19: {  	v2 =	vlaneseq.u32;
	[dreg:$0xc] =	wrdreg s17;
	s10 =	simm.s32 $0x6100;
	s11 =	simm.s32 $0x6900  }
0x1a: {  	vm0 =	vmmov $0xffff;
	v1 =	vshrl.u32 v2, $0x3;
	s12 =	simm.s32 $0x7100;
	s13 =	simm.s32 $0x7900;
	s14 =	simm.s32 $0x8100  }
0x1b: {  	v0 =	vand.u32 $0x7, v2;
	v2 =	vor.u32 $0x8, v2;
	v1 =	vmul.u32 $0x8, v1;
	s15 =	simm.s32 $0x8900;
	s16 =	simm.s32 $0x9100;
	s17 =	simm.s32 $0x9900  }
.LBB2_1:
0x1c: {  	s0 =	rddreg [dreg:$0x4]  }
0x1d: {  	[tilespmem:s3], [sflag:$0x3] =	stream.linear.gather [hbm4b:s0+s3], $0x100, $0x38;
	[tilespmem:$0x10100] =	vst v63  }
0x1e: {  	_ =	swait.ge [sflag:s5], $0x100  }
0x1f: {  	[sflag:s5] =	ssyncset.done $0x0  }
0x20: {  	[sflag:s5] =	ssyncadd.s32 $0xFFFFFF00  }
0x21: {  	v3 =	vld [tilespmem:$0x0];
	_ =	sdelay $0x4  }
0x22: {  	v4 =	vshll.u32 v3, $0x1  }
0x23: {  	v3 =	vand.u32 $0x7, v3;
	v4 =	vand.u32 $0xFFFFFFF0, v4  }
0x24: {  	v3 =	vor.u32 v3, v4  }
0x25: {  	v4 =	vperm.xlane v3, v0;
	_ =	sdelay $0x1  }
0x26: {  	v3 =	vperm.xlane v3, v2;
	v4 =	vadd.s32 v1, v4;
	_ =	sdelay $0x1  }
0x27: {  	v3 =	vadd.s32 v1, v3;
	_ =	sdelay $0x2  }
0x28: {  	[tilespmem:s6], [sflag:$0x1] =	stream.indirect_vreg.gather [hbm4b:s1+s3], $0x80, v4, vm0, $0xb8;
	[tilespmem:$0x10100] =	vst v63  }
0x29: {  	s9 =	rddreg [dreg:$0xd]  }
0x2a: {  	[tilespmem:s9], [sflag:$0x1] =	stream.indirect_vreg.gather [hbm4b:s1+s3], $0x80, v3, vm0, $0xb8;
	[tilespmem:$0x10100] =	vst v63  }
0x2b: {  	v3 =	vld [tilespmem:$0x10];
	_ =	sdelay $0x4  }
0x2c: {  	v49 =	vshll.u32 v3, $0x1  }
0x2d: {  	v3 =	vand.u32 $0x7, v3;
	v4 =	vand.u32 $0xFFFFFFF0, v49  }
0x2e: {  	v3 =	vor.u32 v3, v4  }
0x2f: {  	v4 =	vperm.xlane v3, v0;
	_ =	sdelay $0x1  }
0x30: {  	v3 =	vperm.xlane v3, v2;
	v4 =	vadd.s32 v1, v4;
	_ =	sdelay $0x1  }
0x31: {  	v3 =	vadd.s32 v1, v3;
	_ =	sdelay $0x1  }
0x32: {  	s0 =	rddreg [dreg:$0xe]  }
0x33: {  	[tilespmem:s0], [sflag:$0x1] =	stream.indirect_vreg.gather [hbm4b:s1+s3], $0x80, v4, vm0, $0xb8;
	[tilespmem:$0x10100] =	vst v63  }
0x34: {  	s9 =	rddreg [dreg:$0xf]  }
0x35: {  	[tilespmem:s9], [sflag:$0x1] =	stream.indirect_vreg.gather [hbm4b:s1+s3], $0x80, v3, vm0, $0xb8;
	[tilespmem:$0x10100] =	vst v63  }
0x36: {  	v3 =	vld [tilespmem:$0x20];
	_ =	sdelay $0x4  }
0x37: {  	v50 =	vshll.u32 v3, $0x1  }
0x38: {  	v3 =	vand.u32 $0x7, v3;
	v4 =	vand.u32 $0xFFFFFFF0, v50  }
0x39: {  	v3 =	vor.u32 v3, v4  }
0x3a: {  	v4 =	vperm.xlane v3, v0;
	_ =	sdelay $0x1  }
0x3b: {  	v3 =	vperm.xlane v3, v2;
	v4 =	vadd.s32 v1, v4;
	_ =	sdelay $0x1  }
0x3c: {  	v3 =	vadd.s32 v1, v3;
	_ =	sdelay $0x2  }
0x3d: {  	[tilespmem:s7], [sflag:$0x1] =	stream.indirect_vreg.gather [hbm4b:s1+s3], $0x80, v4, vm0, $0xb8;
	[tilespmem:$0x10100] =	vst v63  }
0x3e: {  	s9 =	rddreg [dreg:$0x10]  }
0x3f: {  	[tilespmem:s9], [sflag:$0x1] =	stream.indirect_vreg.gather [hbm4b:s1+s3], $0x80, v3, vm0, $0xb8;
	[tilespmem:$0x10100] =	vst v63  }
0x40: {  	v3 =	vld [tilespmem:$0x30];
	_ =	sdelay $0x4  }
0x41: {  	v51 =	vshll.u32 v3, $0x1  }
0x42: {  	v3 =	vand.u32 $0x7, v3;
	v4 =	vand.u32 $0xFFFFFFF0, v51  }
0x43: {  	v3 =	vor.u32 v3, v4  }
0x44: {  	v4 =	vperm.xlane v3, v0;
	_ =	sdelay $0x1  }
0x45: {  	v3 =	vperm.xlane v3, v2;
	v4 =	vadd.s32 v1, v4;
	_ =	sdelay $0x1  }
0x46: {  	v3 =	vadd.s32 v1, v3;
	_ =	sdelay $0x1  }
0x47: {  	s0 =	rddreg [dreg:$0x11]  }
0x48: {  	[tilespmem:s0], [sflag:$0x1] =	stream.indirect_vreg.gather [hbm4b:s1+s3], $0x80, v4, vm0, $0xb8;
	[tilespmem:$0x10100] =	vst v63  }
0x49: {  	s9 =	rddreg [dreg:$0x12]  }
0x4a: {  	[tilespmem:s9], [sflag:$0x1] =	stream.indirect_vreg.gather [hbm4b:s1+s3], $0x80, v3, vm0, $0xb8;
	[tilespmem:$0x10100] =	vst v63  }
0x4b: {  	v3 =	vld [tilespmem:$0x40];
	_ =	sdelay $0x4  }
0x4c: {  	v52 =	vshll.u32 v3, $0x1  }
0x4d: {  	v3 =	vand.u32 $0x7, v3;
	v4 =	vand.u32 $0xFFFFFFF0, v52  }
0x4e: {  	v3 =	vor.u32 v3, v4  }
0x4f: {  	v4 =	vperm.xlane v3, v0;
	_ =	sdelay $0x1  }
0x50: {  	v3 =	vperm.xlane v3, v2;
	v4 =	vadd.s32 v1, v4;
	_ =	sdelay $0x1  }
0x51: {  	v3 =	vadd.s32 v1, v3;
	_ =	sdelay $0x2  }
0x52: {  	[tilespmem:s8], [sflag:$0x1] =	stream.indirect_vreg.gather [hbm4b:s1+s3], $0x80, v4, vm0, $0xb8;
	[tilespmem:$0x10100] =	vst v63  }
0x53: {  	s9 =	rddreg [dreg:$0x13]  }
0x54: {  	[tilespmem:s9], [sflag:$0x1] =	stream.indirect_vreg.gather [hbm4b:s1+s3], $0x80, v3, vm0, $0xb8;
	[tilespmem:$0x10100] =	vst v63  }
0x55: {  	v3 =	vld [tilespmem:$0x50];
	_ =	sdelay $0x4  }
0x56: {  	v53 =	vshll.u32 v3, $0x1  }
0x57: {  	v3 =	vand.u32 $0x7, v3;
	v4 =	vand.u32 $0xFFFFFFF0, v53  }
0x58: {  	v3 =	vor.u32 v3, v4  }
0x59: {  	v4 =	vperm.xlane v3, v0;
	_ =	sdelay $0x1  }
0x5a: {  	v3 =	vperm.xlane v3, v2;
	v4 =	vadd.s32 v1, v4;
	_ =	sdelay $0x1  }
0x5b: {  	v3 =	vadd.s32 v1, v3;
	_ =	sdelay $0x1  }
0x5c: {  	s9 =	rddreg [dreg:$0x14]  }
0x5d: {  	[tilespmem:s9], [sflag:$0x1] =	stream.indirect_vreg.gather [hbm4b:s1+s3], $0x80, v4, vm0, $0xb8;
	[tilespmem:$0x10100] =	vst v63  }
0x5e: {  	s9 =	simm.s32 $0x5900  }
0x5f: {  	[tilespmem:s9], [sflag:$0x1] =	stream.indirect_vreg.gather [hbm4b:s1+s3], $0x80, v3, vm0, $0xb8;
	[tilespmem:$0x10100] =	vst v63  }
0x60: {  	v3 =	vld [tilespmem:$0x60];
	_ =	sdelay $0x4  }
0x61: {  	v54 =	vshll.u32 v3, $0x1  }
0x62: {  	v3 =	vand.u32 $0x7, v3;
	v4 =	vand.u32 $0xFFFFFFF0, v54  }
0x63: {  	v3 =	vor.u32 v3, v4  }
0x64: {  	v4 =	vperm.xlane v3, v0;
	_ =	sdelay $0x1  }
0x65: {  	v3 =	vperm.xlane v3, v2;
	v4 =	vadd.s32 v1, v4;
	_ =	sdelay $0x1  }
0x66: {  	v3 =	vadd.s32 v1, v3;
	_ =	sdelay $0x2  }
0x67: {  	[tilespmem:s10], [sflag:$0x1] =	stream.indirect_vreg.gather [hbm4b:s1+s3], $0x80, v4, vm0, $0xb8;
	[tilespmem:$0x10100] =	vst v63  }
0x68: {  	_ = 	snop  }
0x69: {  	[tilespmem:s11], [sflag:$0x1] =	stream.indirect_vreg.gather [hbm4b:s1+s3], $0x80, v3, vm0, $0xb8;
	[tilespmem:$0x10100] =	vst v63  }
0x6a: {  	v3 =	vld [tilespmem:$0x70];
	_ =	sdelay $0x4  }
0x6b: {  	v55 =	vshll.u32 v3, $0x1  }
0x6c: {  	v3 =	vand.u32 $0x7, v3;
	v4 =	vand.u32 $0xFFFFFFF0, v55  }
0x6d: {  	v3 =	vor.u32 v3, v4  }
0x6e: {  	v4 =	vperm.xlane v3, v0;
	_ =	sdelay $0x1  }
0x6f: {  	v3 =	vperm.xlane v3, v2;
	v4 =	vadd.s32 v1, v4;
	_ =	sdelay $0x1  }
0x70: {  	v3 =	vadd.s32 v1, v3;
	_ =	sdelay $0x2  }
0x71: {  	[tilespmem:s12], [sflag:$0x1] =	stream.indirect_vreg.gather [hbm4b:s1+s3], $0x80, v4, vm0, $0xb8;
	[tilespmem:$0x10100] =	vst v63  }
0x72: {  	_ = 	snop  }
0x73: {  	[tilespmem:s13], [sflag:$0x1] =	stream.indirect_vreg.gather [hbm4b:s1+s3], $0x80, v3, vm0, $0xb8;
	[tilespmem:$0x10100] =	vst v63  }
0x74: {  	v3 =	vld [tilespmem:$0x80];
	_ =	sdelay $0x4  }
0x75: {  	v56 =	vshll.u32 v3, $0x1  }
0x76: {  	v3 =	vand.u32 $0x7, v3;
	v4 =	vand.u32 $0xFFFFFFF0, v56  }
0x77: {  	v3 =	vor.u32 v3, v4  }
0x78: {  	v4 =	vperm.xlane v3, v0;
	_ =	sdelay $0x1  }
0x79: {  	v3 =	vperm.xlane v3, v2;
	v4 =	vadd.s32 v1, v4;
	_ =	sdelay $0x1  }
0x7a: {  	v3 =	vadd.s32 v1, v3;
	_ =	sdelay $0x2  }
0x7b: {  	[tilespmem:s14], [sflag:$0x1] =	stream.indirect_vreg.gather [hbm4b:s1+s3], $0x80, v4, vm0, $0xb8;
	[tilespmem:$0x10100] =	vst v63  }
0x7c: {  	_ = 	snop  }
0x7d: {  	[tilespmem:s15], [sflag:$0x1] =	stream.indirect_vreg.gather [hbm4b:s1+s3], $0x80, v3, vm0, $0xb8;
	[tilespmem:$0x10100] =	vst v63  }
0x7e: {  	v3 =	vld [tilespmem:$0x90];
	_ =	sdelay $0x4  }
0x7f: {  	v57 =	vshll.u32 v3, $0x1  }
0x80: {  	v3 =	vand.u32 $0x7, v3;
	v4 =	vand.u32 $0xFFFFFFF0, v57  }
0x81: {  	v3 =	vor.u32 v3, v4  }
0x82: {  	v4 =	vperm.xlane v3, v0;
	_ =	sdelay $0x1  }
0x83: {  	v3 =	vperm.xlane v3, v2;
	v4 =	vadd.s32 v1, v4;
	_ =	sdelay $0x1  }
0x84: {  	v3 =	vadd.s32 v1, v3;
	_ =	sdelay $0x2  }
0x85: {  	[tilespmem:s16], [sflag:$0x1] =	stream.indirect_vreg.gather [hbm4b:s1+s3], $0x80, v4, vm0, $0xb8;
	[tilespmem:$0x10100] =	vst v63  }
0x86: {  	_ = 	snop  }
0x87: {  	[tilespmem:s17], [sflag:$0x1] =	stream.indirect_vreg.gather [hbm4b:s1+s3], $0x80, v3, vm0, $0xb8;
	[tilespmem:$0x10100] =	vst v63  }
0x88: {  	v3 =	vld [tilespmem:$0xA0];
	_ =	sdelay $0x4  }
0x89: {  	v58 =	vshll.u32 v3, $0x1  }
0x8a: {  	v3 =	vand.u32 $0x7, v3;
	v4 =	vand.u32 $0xFFFFFFF0, v58  }
0x8b: {  	v3 =	vor.u32 v3, v4  }
0x8c: {  	v4 =	vperm.xlane v3, v0;
	_ =	sdelay $0x1  }
0x8d: {  	v3 =	vperm.xlane v3, v2;
	v4 =	vadd.s32 v1, v4;
	_ =	sdelay $0x1  }
0x8e: {  	v3 =	vadd.s32 v1, v3;
	_ =	sdelay $0x2  }
0x8f: {  	[tilespmem:s18], [sflag:$0x1] =	stream.indirect_vreg.gather [hbm4b:s1+s3], $0x80, v4, vm0, $0xb8;
	[tilespmem:$0x10100] =	vst v63  }
0x90: {  	_ = 	snop  }
0x91: {  	[tilespmem:s19], [sflag:$0x1] =	stream.indirect_vreg.gather [hbm4b:s1+s3], $0x80, v3, vm0, $0xb8;
	[tilespmem:$0x10100] =	vst v63  }
0x92: {  	v3 =	vld [tilespmem:$0xB0];
	_ =	sdelay $0x4  }
0x93: {  	v59 =	vshll.u32 v3, $0x1  }
0x94: {  	v3 =	vand.u32 $0x7, v3;
	v4 =	vand.u32 $0xFFFFFFF0, v59  }
0x95: {  	v3 =	vor.u32 v3, v4  }
0x96: {  	v4 =	vperm.xlane v3, v0;
	_ =	sdelay $0x1  }
0x97: {  	v3 =	vperm.xlane v3, v2;
	v4 =	vadd.s32 v1, v4;
	_ =	sdelay $0x1  }
0x98: {  	v3 =	vadd.s32 v1, v3;
	_ =	sdelay $0x2  }
0x99: {  	[tilespmem:s20], [sflag:$0x1] =	stream.indirect_vreg.gather [hbm4b:s1+s3], $0x80, v4, vm0, $0xb8;
	[tilespmem:$0x10100] =	vst v63  }
0x9a: {  	_ = 	snop  }
0x9b: {  	[tilespmem:s21], [sflag:$0x1] =	stream.indirect_vreg.gather [hbm4b:s1+s3], $0x80, v3, vm0, $0xb8;
	[tilespmem:$0x10100] =	vst v63  }
0x9c: {  	v3 =	vld [tilespmem:$0xC0];
	_ =	sdelay $0x4  }
0x9d: {  	v60 =	vshll.u32 v3, $0x1  }
0x9e: {  	v3 =	vand.u32 $0x7, v3;
	v4 =	vand.u32 $0xFFFFFFF0, v60  }
0x9f: {  	v3 =	vor.u32 v3, v4  }
0xa0: {  	v4 =	vperm.xlane v3, v0;
	_ =	sdelay $0x1  }
0xa1: {  	v3 =	vperm.xlane v3, v2;
	v4 =	vadd.s32 v1, v4;
	_ =	sdelay $0x1  }
0xa2: {  	v3 =	vadd.s32 v1, v3;
	_ =	sdelay $0x2  }
0xa3: {  	[tilespmem:s22], [sflag:$0x1] =	stream.indirect_vreg.gather [hbm4b:s1+s3], $0x80, v4, vm0, $0xb8;
	[tilespmem:$0x10100] =	vst v63  }
0xa4: {  	_ = 	snop  }
0xa5: {  	[tilespmem:s23], [sflag:$0x1] =	stream.indirect_vreg.gather [hbm4b:s1+s3], $0x80, v3, vm0, $0xb8;
	[tilespmem:$0x10100] =	vst v63  }
0xa6: {  	v3 =	vld [tilespmem:$0xD0];
	_ =	sdelay $0x4  }
0xa7: {  	v61 =	vshll.u32 v3, $0x1  }
0xa8: {  	v3 =	vand.u32 $0x7, v3;
	v4 =	vand.u32 $0xFFFFFFF0, v61  }
0xa9: {  	v3 =	vor.u32 v3, v4  }
0xaa: {  	v4 =	vperm.xlane v3, v0;
	_ =	sdelay $0x1  }
0xab: {  	v3 =	vperm.xlane v3, v2;
	v4 =	vadd.s32 v1, v4;
	_ =	sdelay $0x1  }
0xac: {  	v3 =	vadd.s32 v1, v3;
	_ =	sdelay $0x2  }
0xad: {  	[tilespmem:s24], [sflag:$0x1] =	stream.indirect_vreg.gather [hbm4b:s1+s3], $0x80, v4, vm0, $0xb8;
	[tilespmem:$0x10100] =	vst v63  }
0xae: {  	_ = 	snop  }
0xaf: {  	[tilespmem:s25], [sflag:$0x1] =	stream.indirect_vreg.gather [hbm4b:s1+s3], $0x80, v3, vm0, $0xb8;
	[tilespmem:$0x10100] =	vst v63  }
0xb0: {  	v3 =	vld [tilespmem:$0xE0];
	_ =	sdelay $0x4  }
0xb1: {  	v62 =	vshll.u32 v3, $0x1  }
0xb2: {  	v3 =	vand.u32 $0x7, v3;
	v4 =	vand.u32 $0xFFFFFFF0, v62  }
0xb3: {  	v3 =	vor.u32 v3, v4  }
0xb4: {  	v4 =	vperm.xlane v3, v0;
	_ =	sdelay $0x1  }
0xb5: {  	v3 =	vperm.xlane v3, v2;
	v4 =	vadd.s32 v1, v4;
	_ =	sdelay $0x1  }
0xb6: {  	v3 =	vadd.s32 v1, v3;
	_ =	sdelay $0x2  }
0xb7: {  	[tilespmem:s26], [sflag:$0x1] =	stream.indirect_vreg.gather [hbm4b:s1+s3], $0x80, v4, vm0, $0xb8;
	[tilespmem:$0x10100] =	vst v63  }
0xb8: {  	_ = 	snop  }
0xb9: {  	[tilespmem:s28], [sflag:$0x1] =	stream.indirect_vreg.gather [hbm4b:s1+s3], $0x80, v3, vm0, $0xb8;
	[tilespmem:$0x10100] =	vst v63  }
0xba: {  	v3 =	vld [tilespmem:$0xF0];
	_ =	sdelay $0x4  }
0xbb: {  	v63 =	vshll.u32 v3, $0x1  }
0xbc: {  	v3 =	vand.u32 $0x7, v3;
	v4 =	vand.u32 $0xFFFFFFF0, v63  }
0xbd: {  	v3 =	vor.u32 v3, v4  }
0xbe: {  	v4 =	vperm.xlane v3, v0;
	_ =	sdelay $0x1  }
0xbf: {  	v3 =	vperm.xlane v3, v2;
	v4 =	vadd.s32 v1, v4;
	_ =	sdelay $0x1  }
0xc0: {  	v3 =	vadd.s32 v1, v3;
	_ =	sdelay $0x2  }
0xc1: {  	[tilespmem:s29], [sflag:$0x1] =	stream.indirect_vreg.gather [hbm4b:s1+s3], $0x80, v4, vm0, $0xb8;
	[tilespmem:$0x10100] =	vst v63  }
0xc2: {  	_ = 	snop  }
0xc3: {  	[tilespmem:s30], [sflag:$0x1] =	stream.indirect_vreg.gather [hbm4b:s1+s3], $0x80, v3, vm0, $0xb8;
	[tilespmem:$0x10100] =	vst v63  }
0xc4: {  	_ =	swait.ge [sflag:s31], $0x2000  }
0xc5: {  	[sflag:s31] =	ssyncset.done $0x0  }
0xc6: {  	s9 =	rddreg [dreg:$0x5];
	[sflag:s31] =	ssyncadd.s32 $0xFFFFE000  }
0xc7: {  	[hbm4b:s9+s3] =	stream.linear.scatter [tilespmem:s6], [sflag:$0x2], $0x2000, $0x38;
	[tilespmem:$0x10100] =	vst v63  }
0xc8: {  	_ =	swait.ge [sflag:s31], $0x2000  }
0xc9: {  	[sflag:s31] =	ssyncset.done $0x0  }
0xca: {  	s9 =	rddreg [dreg:$0x6];
	[sflag:s31] =	ssyncadd.s32 $0xFFFFE000  }
0xcb: {  	[hbm4b:s9+s3] =	stream.linear.scatter [tilespmem:s7], [sflag:$0x2], $0x2000, $0x38;
	[tilespmem:$0x10100] =	vst v63  }
0xcc: {  	_ =	swait.ge [sflag:s31], $0x2000  }
0xcd: {  	[sflag:s31] =	ssyncset.done $0x0  }
0xce: {  	s9 =	rddreg [dreg:$0x7];
	[sflag:s31] =	ssyncadd.s32 $0xFFFFE000  }
0xcf: {  	[hbm4b:s9+s3] =	stream.linear.scatter [tilespmem:s8], [sflag:$0x2], $0x2000, $0x38;
	[tilespmem:$0x10100] =	vst v63  }
0xd0: {  	_ =	swait.ge [sflag:s31], $0x2000  }
0xd1: {  	[sflag:s31] =	ssyncset.done $0x0  }
0xd2: {  	s9 =	rddreg [dreg:$0x8];
	[sflag:s31] =	ssyncadd.s32 $0xFFFFE000  }
0xd3: {  	[hbm4b:s9+s3] =	stream.linear.scatter [tilespmem:s10], [sflag:$0x2], $0x2000, $0x38;
	[tilespmem:$0x10100] =	vst v63  }
0xd4: {  	_ =	swait.ge [sflag:s31], $0x2000  }
0xd5: {  	[sflag:s31] =	ssyncset.done $0x0  }
0xd6: {  	s9 =	rddreg [dreg:$0x9];
	[sflag:s31] =	ssyncadd.s32 $0xFFFFE000  }
0xd7: {  	[hbm4b:s9+s3] =	stream.linear.scatter [tilespmem:s14], [sflag:$0x2], $0x2000, $0x38;
	[tilespmem:$0x10100] =	vst v63  }
0xd8: {  	_ =	swait.ge [sflag:s31], $0x2000  }
0xd9: {  	[sflag:s31] =	ssyncset.done $0x0  }
0xda: {  	s9 =	rddreg [dreg:$0xa];
	[sflag:s31] =	ssyncadd.s32 $0xFFFFE000  }
0xdb: {  	[hbm4b:s9+s3] =	stream.linear.scatter [tilespmem:s18], [sflag:$0x2], $0x2000, $0x38;
	[tilespmem:$0x10100] =	vst v63  }
0xdc: {  	_ =	swait.ge [sflag:s31], $0x2000  }
0xdd: {  	[sflag:s31] =	ssyncset.done $0x0  }
0xde: {  	s9 =	rddreg [dreg:$0xb];
	[sflag:s31] =	ssyncadd.s32 $0xFFFFE000  }
0xdf: {  	[hbm4b:s9+s3] =	stream.linear.scatter [tilespmem:s22], [sflag:$0x2], $0x2000, $0x38;
	[tilespmem:$0x10100] =	vst v63  }
0xe0: {  	_ =	swait.ge [sflag:s31], $0x2000  }
0xe1: {  	[sflag:s31] =	ssyncset.done $0x0  }
0xe2: {  	s9 =	rddreg [dreg:$0xc];
	[sflag:s31] =	ssyncadd.s32 $0xFFFFE000  }
0xe3: {  	[hbm4b:s9+s3] =	stream.linear.scatter [tilespmem:s26], [sflag:$0x2], $0x2000, $0x38;
	[tilespmem:$0x10100] =	vst v63  }
0xe4: {  	_ =	swait.ge [sflag:s2], $0x2000  }
0xe5: {  	[sflag:s2] =	ssyncset.done $0x0  }
0xe6: {  	[sflag:s2] =	ssyncadd.s32 $0xFFFFE000  }
0xe7: {  	_ =	swait.ge [sflag:s2], $0x2000  }
0xe8: {  	[sflag:s2] =	ssyncset.done $0x0  }
0xe9: {  	[sflag:s2] =	ssyncadd.s32 $0xFFFFE000  }
0xea: {  	_ =	swait.ge [sflag:s2], $0x2000  }
0xeb: {  	[sflag:s2] =	ssyncset.done $0x0  }
0xec: {  	[sflag:s2] =	ssyncadd.s32 $0xFFFFE000  }
0xed: {  	_ =	swait.ge [sflag:s2], $0x2000  }
0xee: {  	[sflag:s2] =	ssyncset.done $0x0  }
0xef: {  	[sflag:s2] =	ssyncadd.s32 $0xFFFFE000  }
0xf0: {  	_ =	swait.ge [sflag:s2], $0x2000  }
0xf1: {  	[sflag:s2] =	ssyncset.done $0x0  }
0xf2: {  	[sflag:s2] =	ssyncadd.s32 $0xFFFFE000  }
0xf3: {  	_ =	swait.ge [sflag:s2], $0x2000  }
0xf4: {  	[sflag:s2] =	ssyncset.done $0x0  }
0xf5: {  	[sflag:s2] =	ssyncadd.s32 $0xFFFFE000  }
0xf6: {  	p0 =	sne.s32 s4, $0x1;
	_ =	swait.ge [sflag:s2], $0x2000  }
.Ltmp0:
0xf7: {  	[sflag:s2] =	ssyncset.done $0x0;
	(pc) =	sbr.rel @p0 .LBB2_1-.Ltmp0, $4  }
0xf8: {  	[sflag:s2] =	ssyncadd.s32 $0xFFFFE000  }
0xf9: {  	_ =	swait.ge [sflag:s2], $0x2000  }
0xfa: {  	[sflag:s2] =	ssyncset.done $0x0  }
0xfb: {  	s4 =	sadd.s32 $0xFFFFFFFF, s4;
	[sflag:s2] =	ssyncadd.s32 $0xFFFFE000  }
0xfc: {  	_ =	sfence.sel $0x180000  }
0xfd: {  	[bflag:$0x0] =	sbarrier.arrive $0xFFFF  }
0xfe: {  	_ =	strace $0x90000047  }
0xff: {  	s0 =	stileid.u32;
	[bflag:$0x2] =	sbarrier.arrive $0xFFFF  }
0x100: {  	p0 =	sne.s32 s0, $0x0;
	s0 =	rddreg [dreg:$0x3]  }
0x101: {  	s0 =	sadd.s32 @!p0 $0x100000, s0  }
0x102: {  	[sflag:s0] =	ssyncadd.tile.s32 @!p0 $0x1;
	_ =	shalt  }
.Lfunc_end2:
_tile_overlayer_lowered:
.L_overlay_start_2:
0x103: {  	(tag) =	ssettag $0x2  }
0x104: {  	s0 =	rddreg [dreg:$0x0];
	s2 =	stileid.u32  }
0x105: {  	s1 =	rddreg [dreg:$0x1];
	p0 =	sne.s32 s2, $0x0  }
0x106: {  	s3 =	rddreg [dreg:$0x2];
	[bflag:$0x3] =	sbarrier.arrive $0xFFFF;
	s2 =	simm.s32 @!p0 $0x1C03  }
0x107: {  	[timem:s3], [sflag:s2] =	dma.local @!p0 [hbm:s0], s1  }
0x108: {  	s0 =	simm.s32 @!p0 $0x3  }
0x109: {  	_ =	swait.ge @!p0 [sflag:s0], s1  }
0x10a: {  	s1 =	ssub.s32 @!p0 $0x0, s1;
	[sflag:s0] =	ssyncset.done @!p0 $0x0  }
0x10b: {  	[sflag:s0] =	ssyncadd.s32 @!p0 s1  }
0x10c: {  	[bflag:$0x3] =	sbarrier.arrive $0xFFFF  }
0x10d: {  	_ =	shalt  }

</sc_bundles>
